<compile_context>
chip_gen: v7x
topology: tpu7x:2x2x1
jax: 0.10.2.dev20260603
libtpu: 0.0.44.dev20260713+nightly
codegen_flags: <defaults>
</compile_context>

<pallas_src>
import functools

import jax
import jax.numpy as jnp
from jax import lax
from jax.experimental import pallas as pl
from jax.experimental.pallas import tpu as pltpu
from jax.experimental.pallas import tpu_sc as plsc

D = 128
NC, NS = 2, 16
NW = NC * NS
CHUNK = 128
NBUF = 4
NSPM = 2


def _softmax_rows_body(tab_ref, out_ref):
    e = jnp.exp(tab_ref[...])
    out_ref[...] = e * (1.0 / jnp.sum(e, axis=-1, keepdims=True))


def _softmax_rows(table):
    v, d = table.shape
    blk = 10000
    assert v % blk == 0
    return pl.pallas_call(
        _softmax_rows_body,
        grid=(v // blk,),
        in_specs=[pl.BlockSpec((blk, d), lambda i: (i, 0))],
        out_specs=pl.BlockSpec((blk, d), lambda i: (i, 0)),
        out_shape=jax.ShapeDtypeStruct((v, d), jnp.float32),
    )(table)


def _sc_gather(sm_table, idx3):
    n_chunks = idx3.shape[1]
    per_w = n_chunks * CHUNK
    b_total = NW * per_w
    mesh = plsc.VectorSubcoreMesh(
        core_axis_name="c", subcore_axis_name="s", num_cores=NC, num_subcores=NS
    )

    @functools.partial(
        pl.kernel,
        mesh=mesh,
        out_type=jax.ShapeDtypeStruct((b_total, D), jnp.float32),
        scratch_types=[
            pltpu.VMEM((n_chunks, CHUNK), jnp.int32),
            pltpu.VMEM((NBUF, CHUNK, D), jnp.float32),
            pltpu.VMEM_SHARED((NS, NSPM, CHUNK, D), jnp.float32),
            pltpu.SemaphoreType.DMA((NBUF,)),
            pltpu.SemaphoreType.DMA((NBUF,)),
            pltpu.SemaphoreType.DMA((NSPM,)),
        ],
    )
    def gather_kernel(
        table_hbm, idx_hbm, out_hbm, idx_v, rows_v, spm, sem_in, sem_spm, sem_hbm
    ):
        wid = lax.axis_index("s") * NC + lax.axis_index("c")
        sid = lax.axis_index("s")
        base = wid * per_w

        pltpu.sync_copy(idx_hbm.at[wid], idx_v)

        def start_in(j, b):
            pltpu.make_async_copy(
                table_hbm.at[idx_v.at[j]], rows_v.at[b], sem_in.at[b]
            ).start()

        def wait_in(b):
            pltpu.make_async_copy(
                table_hbm.at[idx_v.at[0]], rows_v.at[b], sem_in.at[b]
            ).wait()

        def start_spm(b, q):
            pltpu.make_async_copy(rows_v.at[b], spm.at[sid, q], sem_spm.at[b]).start()

        def wait_spm(b, q):
            pltpu.make_async_copy(rows_v.at[b], spm.at[sid, q], sem_spm.at[b]).wait()

        def start_hbm(j, q):
            pltpu.make_async_copy(
                spm.at[sid, q], out_hbm.at[pl.ds(base + j * CHUNK, CHUNK)], sem_hbm.at[q]
            ).start()

        def wait_hbm(j, q):
            pltpu.make_async_copy(
                spm.at[sid, q], out_hbm.at[pl.ds(base + j * CHUNK, CHUNK)], sem_hbm.at[q]
            ).wait()

        for b in range(NBUF - 1):
            start_in(b, b)

        @pl.loop(0, n_chunks, step=NBUF)
        def _(g):
            for b in range(NBUF):
                j = g + b
                q = b % NSPM
                wait_in(b)
                @pl.when(j >= NSPM)
                def _():
                    wait_hbm(j - NSPM, q)

                start_spm(b, q)
                wait_spm(b, q)
                start_hbm(j, q)
                m = j + NBUF - 1

                @pl.when(m < n_chunks)
                def _():
                    start_in(m, (b - 1) % NBUF)

        for jj in range(n_chunks - NSPM, n_chunks):
            wait_hbm(jj, jj % NSPM)

    return gather_kernel(sm_table, idx3)


@jax.jit
def kernel(idx, table):
    batch, hist = idx.shape
    b_total = batch * hist
    per_w = b_total // NW
    n_chunks = per_w // CHUNK
    sm_table = _softmax_rows(table)
    idx3 = idx.reshape(NW, n_chunks, CHUNK).astype(jnp.int32)
    out = _sc_gather(sm_table, idx3)
    return out.reshape(batch, hist, D)

# --- scband reference (transcript-rebuilt; emitter-appended) ---
"""Pipeline reference for scband-mixture-embedding-45578192945440 (READ-ONLY COPY).

The authoritative reference and input builder live on the scoring server;
editing this copy changes nothing except your own understanding.
"""

import jax, jax.numpy as jnp
import numpy as np

NUM_MIXTURE = 128
N_VOCAB = 100000
BATCH = 4096
HIST = 200

def setup_inputs(seed: int = 0) -> dict:
    key = jax.random.key(seed)
    k_idx, k_tab = jax.random.split(key)
    idx = jax.random.randint(k_idx, (BATCH, HIST), 0, N_VOCAB, dtype=jnp.int64 if jax.config.jax_enable_x64 else jnp.int32)
    table = jax.random.normal(k_tab, (N_VOCAB, NUM_MIXTURE), dtype=jnp.float32)
    return {"idx": idx, "table": table}

def reference(idx, table):
    # embedding lookup (gather) followed by softmax over last dim
    emb = jnp.take(table, idx, axis=0)  # [B, L, num_mixture]
    return jax.nn.softmax(emb, axis=-1)

if __name__ == "__main__":
    import jax
    _d = setup_inputs()
    print(jax.jit(kernel)(*tuple(_d.values())))

</pallas_src>

<mosaic_0001>
#map = affine_map<(d0, d1) -> (0, 0)>
#map1 = affine_map<(d0, d1) -> (0, 0, 0)>
module attributes {stable_mosaic.version = 14 : i64} {
  func.func @gather_kernel(%arg0: i32, %arg1: i32, %arg2: memref<100000x128xf32, #tpu.memory_space<hbm>>, %arg3: memref<32x200x128xi32, #tpu.memory_space<hbm>>, %arg4: memref<819200x128xf32, #tpu.memory_space<hbm>>, %arg5: memref<200x128xi32, #tpu.memory_space<vmem>>, %arg6: memref<4x128x128xf32, #tpu.memory_space<vmem>>, %arg7: memref<16x2x128x128xf32, #tpu.memory_space<vmem_shared>>, %arg8: memref<4x!tpu.dma_semaphore, #tpu.memory_space<semaphore_mem>>, %arg9: memref<4x!tpu.dma_semaphore, #tpu.memory_space<semaphore_mem>>, %arg10: memref<2x!tpu.dma_semaphore, #tpu.memory_space<semaphore_mem>>) attributes {dimension_semantics = [#tpu.dimension_semantics<core_parallel>, #tpu.dimension_semantics<subcore_parallel>], iteration_bounds = array<i64: 2, 16>, scalar_prefetch = 0 : i64, scratch_operands = 6 : i64, tpu.core_type = #tpu.core_type<sc_vector_subcore>, window_params = [{transform_indices = #map}, {transform_indices = #map1}, {transform_indices = #map}]} {
    %mul3A = arith.constant 2 : i32
    %mul3A_0 = arith.muli %arg1, %mul3A : i32
    %add3A = arith.addi %mul3A_0, %arg0 : i32
    %mul3A_1 = arith.constant 25600 : i32
    %mul3A_2 = arith.muli %add3A, %mul3A_1 : i32
    "tpu.region"() ({
      %run_scoped3A = tpu.sem_alloc : memref<!tpu.dma_semaphore, #tpu.memory_space<semaphore_mem>>
      %dma_start3A_74 = arith.constant 0 : i32
      %dma_start3A_75 = arith.constant 0 : i32
      %dma_start3A_76 = tpu.memref_slice %arg3[%add3A, %dma_start3A_74, %dma_start3A_75] : memref<32x200x128xi32, #tpu.memory_space<hbm>> -> memref<1x200x128xi32, #tpu.memory_space<hbm>>
      %dma_start3A_77 = tpu.memref_squeeze %dma_start3A_76 : memref<1x200x128xi32, #tpu.memory_space<hbm>> -> memref<200x128xi32, #tpu.memory_space<hbm>>
      %dma_start3A_78 = arith.constant 0 : i32
      %dma_start3A_79 = arith.constant 0 : i32
      %dma_start3A_80 = tpu.memref_slice %arg3[%add3A, %dma_start3A_78, %dma_start3A_79] : memref<32x200x128xi32, #tpu.memory_space<hbm>> -> memref<1x200x128xi32, #tpu.memory_space<hbm>>
      %dma_start3A_81 = tpu.memref_squeeze %dma_start3A_80 : memref<1x200x128xi32, #tpu.memory_space<hbm>> -> memref<200x128xi32, #tpu.memory_space<hbm>>
      tpu.enqueue_dma source(%dma_start3A_81 : memref<200x128xi32, #tpu.memory_space<hbm>>) target(%arg5 : memref<200x128xi32, #tpu.memory_space<vmem>>) target_semaphore(%run_scoped3A : memref<!tpu.dma_semaphore, #tpu.memory_space<semaphore_mem>>)
      %dma_wait3A_82 = arith.constant 0 : i32
      %dma_wait3A_83 = arith.constant 0 : i32
      %dma_wait3A_84 = tpu.memref_slice %arg3[%add3A, %dma_wait3A_82, %dma_wait3A_83] : memref<32x200x128xi32, #tpu.memory_space<hbm>> -> memref<1x200x128xi32, #tpu.memory_space<hbm>>
      %dma_wait3A_85 = tpu.memref_squeeze %dma_wait3A_84 : memref<1x200x128xi32, #tpu.memory_space<hbm>> -> memref<200x128xi32, #tpu.memory_space<hbm>>
      %dma_wait3A_86 = arith.constant 0 : i32
      %dma_wait3A_87 = arith.constant 0 : i32
      %dma_wait3A_88 = tpu.memref_slice %arg3[%add3A, %dma_wait3A_86, %dma_wait3A_87] : memref<32x200x128xi32, #tpu.memory_space<hbm>> -> memref<1x200x128xi32, #tpu.memory_space<hbm>>
      %dma_wait3A_89 = tpu.memref_squeeze %dma_wait3A_88 : memref<1x200x128xi32, #tpu.memory_space<hbm>> -> memref<200x128xi32, #tpu.memory_space<hbm>>
      tpu.wait_dma2 semaphore(%run_scoped3A : memref<!tpu.dma_semaphore, #tpu.memory_space<semaphore_mem>>) src(%dma_wait3A_89 : memref<200x128xi32, #tpu.memory_space<hbm>>) dst(%arg5 : memref<200x128xi32, #tpu.memory_space<vmem>>)
      tpu.yield
    }) : () -> ()
    %dma_start3A = arith.constant 0 : i32
    %dma_start3A_3 = arith.constant 0 : i32
    %dma_start3A_4 = arith.constant 0 : i32
    %dma_start3A_5 = arith.constant 0 : i32
    %dma_start3A_6 = arith.constant 0 : i32
    %dma_start3A_7 = tpu.memref_slice %arg6[%dma_start3A_3, %dma_start3A_5, %dma_start3A_6] : memref<4x128x128xf32, #tpu.memory_space<vmem>> -> memref<1x128x128xf32, #tpu.memory_space<vmem>>
    %dma_start3A_8 = tpu.memref_squeeze %dma_start3A_7 : memref<1x128x128xf32, #tpu.memory_space<vmem>> -> memref<128x128xf32, #tpu.memory_space<vmem>>
    %dma_start3A_9 = arith.constant 0 : i32
    %dma_start3A_10 = tpu.memref_slice %arg5[%dma_start3A, %dma_start3A_9] : memref<200x128xi32, #tpu.memory_space<vmem>> -> memref<1x128xi32, #tpu.memory_space<vmem>>
    %dma_start3A_11 = tpu.memref_squeeze %dma_start3A_10 : memref<1x128xi32, #tpu.memory_space<vmem>> -> memref<128xi32, #tpu.memory_space<vmem>>
    %dma_start3A_12 = arith.constant 0 : i32
    %dma_start3A_13 = arith.constant 0 : i32
    %dma_start3A_14 = tpu.memref_slice %arg2[%dma_start3A_12, %dma_start3A_13] : memref<100000x128xf32, #tpu.memory_space<hbm>> -> memref<100000x128xf32, #tpu.memory_space<hbm>>
    %dma_start3A_15 = tpu.memref_slice %arg8[%dma_start3A_4] : memref<4x!tpu.dma_semaphore, #tpu.memory_space<semaphore_mem>> -> memref<1x!tpu.dma_semaphore, #tpu.memory_space<semaphore_mem>>
    %dma_start3A_16 = tpu.memref_squeeze %dma_start3A_15 : memref<1x!tpu.dma_semaphore, #tpu.memory_space<semaphore_mem>> -> memref<!tpu.dma_semaphore, #tpu.memory_space<semaphore_mem>>
    tpu.enqueue_indirect_dma source(%dma_start3A_14 : memref<100000x128xf32, #tpu.memory_space<hbm>>) target(%dma_start3A_8 : memref<128x128xf32, #tpu.memory_space<vmem>>) offsets(%dma_start3A_11 : memref<128xi32, #tpu.memory_space<vmem>>) semaphore(%dma_start3A_16 : memref<!tpu.dma_semaphore, #tpu.memory_space<semaphore_mem>>)
    %dma_start3A_17 = arith.constant 1 : i32
    %dma_start3A_18 = arith.constant 1 : i32
    %dma_start3A_19 = arith.constant 1 : i32
    %dma_start3A_20 = arith.constant 0 : i32
    %dma_start3A_21 = arith.constant 0 : i32
    %dma_start3A_22 = tpu.memref_slice %arg6[%dma_start3A_18, %dma_start3A_20, %dma_start3A_21] : memref<4x128x128xf32, #tpu.memory_space<vmem>> -> memref<1x128x128xf32, #tpu.memory_space<vmem>>
    %dma_start3A_23 = tpu.memref_squeeze %dma_start3A_22 : memref<1x128x128xf32, #tpu.memory_space<vmem>> -> memref<128x128xf32, #tpu.memory_space<vmem>>
    %dma_start3A_24 = arith.constant 0 : i32
    %dma_start3A_25 = tpu.memref_slice %arg5[%dma_start3A_17, %dma_start3A_24] : memref<200x128xi32, #tpu.memory_space<vmem>> -> memref<1x128xi32, #tpu.memory_space<vmem>>
    %dma_start3A_26 = tpu.memref_squeeze %dma_start3A_25 : memref<1x128xi32, #tpu.memory_space<vmem>> -> memref<128xi32, #tpu.memory_space<vmem>>
    %dma_start3A_27 = arith.constant 0 : i32
    %dma_start3A_28 = arith.constant 0 : i32
    %dma_start3A_29 = tpu.memref_slice %arg2[%dma_start3A_27, %dma_start3A_28] : memref<100000x128xf32, #tpu.memory_space<hbm>> -> memref<100000x128xf32, #tpu.memory_space<hbm>>
    %dma_start3A_30 = tpu.memref_slice %arg8[%dma_start3A_19] : memref<4x!tpu.dma_semaphore, #tpu.memory_space<semaphore_mem>> -> memref<1x!tpu.dma_semaphore, #tpu.memory_space<semaphore_mem>>
    %dma_start3A_31 = tpu.memref_squeeze %dma_start3A_30 : memref<1x!tpu.dma_semaphore, #tpu.memory_space<semaphore_mem>> -> memref<!tpu.dma_semaphore, #tpu.memory_space<semaphore_mem>>
    tpu.enqueue_indirect_dma source(%dma_start3A_29 : memref<100000x128xf32, #tpu.memory_space<hbm>>) target(%dma_start3A_23 : memref<128x128xf32, #tpu.memory_space<vmem>>) offsets(%dma_start3A_26 : memref<128xi32, #tpu.memory_space<vmem>>) semaphore(%dma_start3A_31 : memref<!tpu.dma_semaphore, #tpu.memory_space<semaphore_mem>>)
    %dma_start3A_32 = arith.constant 2 : i32
    %dma_start3A_33 = arith.constant 2 : i32
    %dma_start3A_34 = arith.constant 2 : i32
    %dma_start3A_35 = arith.constant 0 : i32
    %dma_start3A_36 = arith.constant 0 : i32
    %dma_start3A_37 = tpu.memref_slice %arg6[%dma_start3A_33, %dma_start3A_35, %dma_start3A_36] : memref<4x128x128xf32, #tpu.memory_space<vmem>> -> memref<1x128x128xf32, #tpu.memory_space<vmem>>
    %dma_start3A_38 = tpu.memref_squeeze %dma_start3A_37 : memref<1x128x128xf32, #tpu.memory_space<vmem>> -> memref<128x128xf32, #tpu.memory_space<vmem>>
    %dma_start3A_39 = arith.constant 0 : i32
    %dma_start3A_40 = tpu.memref_slice %arg5[%dma_start3A_32, %dma_start3A_39] : memref<200x128xi32, #tpu.memory_space<vmem>> -> memref<1x128xi32, #tpu.memory_space<vmem>>
    %dma_start3A_41 = tpu.memref_squeeze %dma_start3A_40 : memref<1x128xi32, #tpu.memory_space<vmem>> -> memref<128xi32, #tpu.memory_space<vmem>>
    %dma_start3A_42 = arith.constant 0 : i32
    %dma_start3A_43 = arith.constant 0 : i32
    %dma_start3A_44 = tpu.memref_slice %arg2[%dma_start3A_42, %dma_start3A_43] : memref<100000x128xf32, #tpu.memory_space<hbm>> -> memref<100000x128xf32, #tpu.memory_space<hbm>>
    %dma_start3A_45 = tpu.memref_slice %arg8[%dma_start3A_34] : memref<4x!tpu.dma_semaphore, #tpu.memory_space<semaphore_mem>> -> memref<1x!tpu.dma_semaphore, #tpu.memory_space<semaphore_mem>>
    %dma_start3A_46 = tpu.memref_squeeze %dma_start3A_45 : memref<1x!tpu.dma_semaphore, #tpu.memory_space<semaphore_mem>> -> memref<!tpu.dma_semaphore, #tpu.memory_space<semaphore_mem>>
    tpu.enqueue_indirect_dma source(%dma_start3A_44 : memref<100000x128xf32, #tpu.memory_space<hbm>>) target(%dma_start3A_38 : memref<128x128xf32, #tpu.memory_space<vmem>>) offsets(%dma_start3A_41 : memref<128xi32, #tpu.memory_space<vmem>>) semaphore(%dma_start3A_46 : memref<!tpu.dma_semaphore, #tpu.memory_space<semaphore_mem>>)
    %scan3A = arith.constant 0 : i32
    %scan3A_47 = arith.constant 50 : i32
    %scan3A_48 = arith.addi %scan3A, %scan3A_47 : i32
    %scan3A_49 = arith.constant 1 : i32
    scf.for %scan3A_74 = %scan3A to %scan3A_48 step %scan3A_49  : i32 {
      %mul3A_75 = arith.constant 4 : i32
      %mul3A_76 = arith.muli %scan3A_74, %mul3A_75 : i32
      %add3A_77 = arith.constant 0 : i32
      %add3A_78 = arith.addi %add3A_77, %mul3A_76 : i32
      %add3A_79 = arith.constant 0 : i32
      %add3A_80 = arith.addi %add3A_78, %add3A_79 : i32
      %dma_wait3A_81 = arith.constant 0 : i32
      %dma_wait3A_82 = arith.constant 0 : i32
      %dma_wait3A_83 = arith.constant 0 : i32
      %dma_wait3A_84 = arith.constant 0 : i32
      %dma_wait3A_85 = arith.constant 0 : i32
      %dma_wait3A_86 = tpu.memref_slice %arg6[%dma_wait3A_82, %dma_wait3A_84, %dma_wait3A_85] : memref<4x128x128xf32, #tpu.memory_space<vmem>> -> memref<1x128x128xf32, #tpu.memory_space<vmem>>
      %dma_wait3A_87 = tpu.memref_squeeze %dma_wait3A_86 : memref<1x128x128xf32, #tpu.memory_space<vmem>> -> memref<128x128xf32, #tpu.memory_space<vmem>>
      %dma_wait3A_88 = arith.constant 0 : i32
      %dma_wait3A_89 = tpu.memref_slice %arg5[%dma_wait3A_81, %dma_wait3A_88] : memref<200x128xi32, #tpu.memory_space<vmem>> -> memref<1x128xi32, #tpu.memory_space<vmem>>
      %dma_wait3A_90 = tpu.memref_squeeze %dma_wait3A_89 : memref<1x128xi32, #tpu.memory_space<vmem>> -> memref<128xi32, #tpu.memory_space<vmem>>
      %dma_wait3A_91 = arith.constant 0 : i32
      %dma_wait3A_92 = arith.constant 0 : i32
      %dma_wait3A_93 = tpu.memref_slice %arg2[%dma_wait3A_91, %dma_wait3A_92] : memref<100000x128xf32, #tpu.memory_space<hbm>> -> memref<100000x128xf32, #tpu.memory_space<hbm>>
      %dma_wait3A_94 = tpu.memref_slice %arg8[%dma_wait3A_83] : memref<4x!tpu.dma_semaphore, #tpu.memory_space<semaphore_mem>> -> memref<1x!tpu.dma_semaphore, #tpu.memory_space<semaphore_mem>>
      %dma_wait3A_95 = tpu.memref_squeeze %dma_wait3A_94 : memref<1x!tpu.dma_semaphore, #tpu.memory_space<semaphore_mem>> -> memref<!tpu.dma_semaphore, #tpu.memory_space<semaphore_mem>>
      tpu.wait_indirect_dma semaphore(%dma_wait3A_95 : memref<!tpu.dma_semaphore, #tpu.memory_space<semaphore_mem>>) src(%dma_wait3A_93 : memref<100000x128xf32, #tpu.memory_space<hbm>>) dst(%dma_wait3A_87 : memref<128x128xf32, #tpu.memory_space<vmem>>)
      %ge3A = arith.constant 2 : i32
      %ge3A_96 = arith.cmpi sge, %add3A_80, %ge3A : i32
      %convert_element_type3A = arith.extui %ge3A_96 : i1 to i32
      %cond3A = arith.constant 0 : i32
      %cond3A_97 = arith.cmpi ne, %convert_element_type3A, %cond3A : i32
      scf.if %cond3A_97 {
        %sub3A_418 = arith.constant 2 : i32
        %sub3A_419 = arith.subi %add3A_80, %sub3A_418 : i32
        %mul3A_420 = arith.constant 128 : i32
        %mul3A_421 = arith.muli %sub3A_419, %mul3A_420 : i32
        %add3A_422 = arith.addi %mul3A_2, %mul3A_421 : i32
        %dma_wait3A_423 = arith.constant 0 : i32
        %dma_wait3A_424 = arith.constant 0 : i32
        %dma_wait3A_425 = tpu.memref_slice %arg10[%dma_wait3A_424] : memref<2x!tpu.dma_semaphore, #tpu.memory_space<semaphore_mem>> -> memref<1x!tpu.dma_semaphore, #tpu.memory_space<semaphore_mem>>
        %dma_wait3A_426 = tpu.memref_squeeze %dma_wait3A_425 : memref<1x!tpu.dma_semaphore, #tpu.memory_space<semaphore_mem>> -> memref<!tpu.dma_semaphore, #tpu.memory_space<semaphore_mem>>
        %dma_wait3A_427 = arith.constant 0 : i32
        %dma_wait3A_428 = tpu.memref_slice %arg4[%add3A_422, %dma_wait3A_427] : memref<819200x128xf32, #tpu.memory_space<hbm>> -> memref<128x128xf32, #tpu.memory_space<hbm>>
        %dma_wait3A_429 = arith.constant 0 : i32
        %dma_wait3A_430 = arith.constant 0 : i32
        %dma_wait3A_431 = tpu.memref_slice %arg7[%arg1, %dma_wait3A_423, %dma_wait3A_429, %dma_wait3A_430] : memref<16x2x128x128xf32, #tpu.memory_space<vmem_shared>> -> memref<1x1x128x128xf32, #tpu.memory_space<vmem_shared>>
        %dma_wait3A_432 = tpu.memref_squeeze %dma_wait3A_431 : memref<1x1x128x128xf32, #tpu.memory_space<vmem_shared>> -> memref<128x128xf32, #tpu.memory_space<vmem_shared>>
        tpu.wait_dma2 semaphore(%dma_wait3A_426 : memref<!tpu.dma_semaphore, #tpu.memory_space<semaphore_mem>>) src(%dma_wait3A_432 : memref<128x128xf32, #tpu.memory_space<vmem_shared>>) dst(%dma_wait3A_428 : memref<128x128xf32, #tpu.memory_space<hbm>>)
      } else {
      }
      %dma_start3A_98 = arith.constant 0 : i32
      %dma_start3A_99 = arith.constant 0 : i32
      %dma_start3A_100 = arith.constant 0 : i32
      %dma_start3A_101 = arith.constant 0 : i32
      %dma_start3A_102 = arith.constant 0 : i32
      %dma_start3A_103 = tpu.memref_slice %arg6[%dma_start3A_98, %dma_start3A_101, %dma_start3A_102] : memref<4x128x128xf32, #tpu.memory_space<vmem>> -> memref<1x128x128xf32, #tpu.memory_space<vmem>>
      %dma_start3A_104 = tpu.memref_squeeze %dma_start3A_103 : memref<1x128x128xf32, #tpu.memory_space<vmem>> -> memref<128x128xf32, #tpu.memory_space<vmem>>
      %dma_start3A_105 = arith.constant 0 : i32
      %dma_start3A_106 = arith.constant 0 : i32
      %dma_start3A_107 = tpu.memref_slice %arg7[%arg1, %dma_start3A_99, %dma_start3A_105, %dma_start3A_106] : memref<16x2x128x128xf32, #tpu.memory_space<vmem_shared>> -> memref<1x1x128x128xf32, #tpu.memory_space<vmem_shared>>
      %dma_start3A_108 = tpu.memref_squeeze %dma_start3A_107 : memref<1x1x128x128xf32, #tpu.memory_space<vmem_shared>> -> memref<128x128xf32, #tpu.memory_space<vmem_shared>>
      %dma_start3A_109 = tpu.memref_slice %arg9[%dma_start3A_100] : memref<4x!tpu.dma_semaphore, #tpu.memory_space<semaphore_mem>> -> memref<1x!tpu.dma_semaphore, #tpu.memory_space<semaphore_mem>>
      %dma_start3A_110 = tpu.memref_squeeze %dma_start3A_109 : memref<1x!tpu.dma_semaphore, #tpu.memory_space<semaphore_mem>> -> memref<!tpu.dma_semaphore, #tpu.memory_space<semaphore_mem>>
      %dma_start3A_111 = arith.constant 0 : i32
      %dma_start3A_112 = arith.constant 0 : i32
      %dma_start3A_113 = tpu.memref_slice %arg7[%arg1, %dma_start3A_99, %dma_start3A_111, %dma_start3A_112] : memref<16x2x128x128xf32, #tpu.memory_space<vmem_shared>> -> memref<1x1x128x128xf32, #tpu.memory_space<vmem_shared>>
      %dma_start3A_114 = tpu.memref_squeeze %dma_start3A_113 : memref<1x1x128x128xf32, #tpu.memory_space<vmem_shared>> -> memref<128x128xf32, #tpu.memory_space<vmem_shared>>
      %dma_start3A_115 = arith.constant 0 : i32
      %dma_start3A_116 = arith.constant 0 : i32
      %dma_start3A_117 = tpu.memref_slice %arg6[%dma_start3A_98, %dma_start3A_115, %dma_start3A_116] : memref<4x128x128xf32, #tpu.memory_space<vmem>> -> memref<1x128x128xf32, #tpu.memory_space<vmem>>
      %dma_start3A_118 = tpu.memref_squeeze %dma_start3A_117 : memref<1x128x128xf32, #tpu.memory_space<vmem>> -> memref<128x128xf32, #tpu.memory_space<vmem>>
      tpu.enqueue_dma source(%dma_start3A_118 : memref<128x128xf32, #tpu.memory_space<vmem>>) target(%dma_start3A_114 : memref<128x128xf32, #tpu.memory_space<vmem_shared>>) target_semaphore(%dma_start3A_110 : memref<!tpu.dma_semaphore, #tpu.memory_space<semaphore_mem>>)
      %dma_wait3A_119 = arith.constant 0 : i32
      %dma_wait3A_120 = arith.constant 0 : i32
      %dma_wait3A_121 = arith.constant 0 : i32
      %dma_wait3A_122 = arith.constant 0 : i32
      %dma_wait3A_123 = arith.constant 0 : i32
      %dma_wait3A_124 = tpu.memref_slice %arg6[%dma_wait3A_119, %dma_wait3A_122, %dma_wait3A_123] : memref<4x128x128xf32, #tpu.memory_space<vmem>> -> memref<1x128x128xf32, #tpu.memory_space<vmem>>
      %dma_wait3A_125 = tpu.memref_squeeze %dma_wait3A_124 : memref<1x128x128xf32, #tpu.memory_space<vmem>> -> memref<128x128xf32, #tpu.memory_space<vmem>>
      %dma_wait3A_126 = arith.constant 0 : i32
      %dma_wait3A_127 = arith.constant 0 : i32
      %dma_wait3A_128 = tpu.memref_slice %arg7[%arg1, %dma_wait3A_120, %dma_wait3A_126, %dma_wait3A_127] : memref<16x2x128x128xf32, #tpu.memory_space<vmem_shared>> -> memref<1x1x128x128xf32, #tpu.memory_space<vmem_shared>>
      %dma_wait3A_129 = tpu.memref_squeeze %dma_wait3A_128 : memref<1x1x128x128xf32, #tpu.memory_space<vmem_shared>> -> memref<128x128xf32, #tpu.memory_space<vmem_shared>>
      %dma_wait3A_130 = tpu.memref_slice %arg9[%dma_wait3A_121] : memref<4x!tpu.dma_semaphore, #tpu.memory_space<semaphore_mem>> -> memref<1x!tpu.dma_semaphore, #tpu.memory_space<semaphore_mem>>
      %dma_wait3A_131 = tpu.memref_squeeze %dma_wait3A_130 : memref<1x!tpu.dma_semaphore, #tpu.memory_space<semaphore_mem>> -> memref<!tpu.dma_semaphore, #tpu.memory_space<semaphore_mem>>
      %dma_wait3A_132 = arith.constant 0 : i32
      %dma_wait3A_133 = arith.constant 0 : i32
      %dma_wait3A_134 = tpu.memref_slice %arg7[%arg1, %dma_wait3A_120, %dma_wait3A_132, %dma_wait3A_133] : memref<16x2x128x128xf32, #tpu.memory_space<vmem_shared>> -> memref<1x1x128x128xf32, #tpu.memory_space<vmem_shared>>
      %dma_wait3A_135 = tpu.memref_squeeze %dma_wait3A_134 : memref<1x1x128x128xf32, #tpu.memory_space<vmem_shared>> -> memref<128x128xf32, #tpu.memory_space<vmem_shared>>
      %dma_wait3A_136 = arith.constant 0 : i32
      %dma_wait3A_137 = arith.constant 0 : i32
      %dma_wait3A_138 = tpu.memref_slice %arg6[%dma_wait3A_119, %dma_wait3A_136, %dma_wait3A_137] : memref<4x128x128xf32, #tpu.memory_space<vmem>> -> memref<1x128x128xf32, #tpu.memory_space<vmem>>
      %dma_wait3A_139 = tpu.memref_squeeze %dma_wait3A_138 : memref<1x128x128xf32, #tpu.memory_space<vmem>> -> memref<128x128xf32, #tpu.memory_space<vmem>>
      tpu.wait_dma2 semaphore(%dma_wait3A_131 : memref<!tpu.dma_semaphore, #tpu.memory_space<semaphore_mem>>) src(%dma_wait3A_139 : memref<128x128xf32, #tpu.memory_space<vmem>>) dst(%dma_wait3A_135 : memref<128x128xf32, #tpu.memory_space<vmem_shared>>)
      %mul3A_140 = arith.constant 128 : i32
      %mul3A_141 = arith.muli %add3A_80, %mul3A_140 : i32
      %add3A_142 = arith.addi %mul3A_2, %mul3A_141 : i32
      %dma_start3A_143 = arith.constant 0 : i32
      %dma_start3A_144 = arith.constant 0 : i32
      %dma_start3A_145 = tpu.memref_slice %arg10[%dma_start3A_144] : memref<2x!tpu.dma_semaphore, #tpu.memory_space<semaphore_mem>> -> memref<1x!tpu.dma_semaphore, #tpu.memory_space<semaphore_mem>>
      %dma_start3A_146 = tpu.memref_squeeze %dma_start3A_145 : memref<1x!tpu.dma_semaphore, #tpu.memory_space<semaphore_mem>> -> memref<!tpu.dma_semaphore, #tpu.memory_space<semaphore_mem>>
      %dma_start3A_147 = arith.constant 0 : i32
      %dma_start3A_148 = tpu.memref_slice %arg4[%add3A_142, %dma_start3A_147] : memref<819200x128xf32, #tpu.memory_space<hbm>> -> memref<128x128xf32, #tpu.memory_space<hbm>>
      %dma_start3A_149 = arith.constant 0 : i32
      %dma_start3A_150 = arith.constant 0 : i32
      %dma_start3A_151 = tpu.memref_slice %arg7[%arg1, %dma_start3A_143, %dma_start3A_149, %dma_start3A_150] : memref<16x2x128x128xf32, #tpu.memory_space<vmem_shared>> -> memref<1x1x128x128xf32, #tpu.memory_space<vmem_shared>>
      %dma_start3A_152 = tpu.memref_squeeze %dma_start3A_151 : memref<1x1x128x128xf32, #tpu.memory_space<vmem_shared>> -> memref<128x128xf32, #tpu.memory_space<vmem_shared>>
      tpu.enqueue_dma source(%dma_start3A_152 : memref<128x128xf32, #tpu.memory_space<vmem_shared>>) target(%dma_start3A_148 : memref<128x128xf32, #tpu.memory_space<hbm>>) target_semaphore(%dma_start3A_146 : memref<!tpu.dma_semaphore, #tpu.memory_space<semaphore_mem>>)
      %add3A_153 = arith.constant 4 : i32
      %add3A_154 = arith.addi %add3A_80, %add3A_153 : i32
      %sub3A = arith.constant 1 : i32
      %sub3A_155 = arith.subi %add3A_154, %sub3A : i32
      %lt3A = arith.constant 200 : i32
      %lt3A_156 = arith.cmpi slt, %sub3A_155, %lt3A : i32
      %convert_element_type3A_157 = arith.extui %lt3A_156 : i1 to i32
      %cond3A_158 = arith.constant 0 : i32
      %cond3A_159 = arith.cmpi ne, %convert_element_type3A_157, %cond3A_158 : i32
      scf.if %cond3A_159 {
        %dma_start3A_418 = arith.constant 3 : i32
        %dma_start3A_419 = arith.constant 3 : i32
        %dma_start3A_420 = arith.constant 0 : i32
        %dma_start3A_421 = arith.constant 0 : i32
        %dma_start3A_422 = tpu.memref_slice %arg6[%dma_start3A_418, %dma_start3A_420, %dma_start3A_421] : memref<4x128x128xf32, #tpu.memory_space<vmem>> -> memref<1x128x128xf32, #tpu.memory_space<vmem>>
        %dma_start3A_423 = tpu.memref_squeeze %dma_start3A_422 : memref<1x128x128xf32, #tpu.memory_space<vmem>> -> memref<128x128xf32, #tpu.memory_space<vmem>>
        %dma_start3A_424 = arith.constant 0 : i32
        %dma_start3A_425 = tpu.memref_slice %arg5[%sub3A_155, %dma_start3A_424] : memref<200x128xi32, #tpu.memory_space<vmem>> -> memref<1x128xi32, #tpu.memory_space<vmem>>
        %dma_start3A_426 = tpu.memref_squeeze %dma_start3A_425 : memref<1x128xi32, #tpu.memory_space<vmem>> -> memref<128xi32, #tpu.memory_space<vmem>>
        %dma_start3A_427 = arith.constant 0 : i32
        %dma_start3A_428 = arith.constant 0 : i32
        %dma_start3A_429 = tpu.memref_slice %arg2[%dma_start3A_427, %dma_start3A_428] : memref<100000x128xf32, #tpu.memory_space<hbm>> -> memref<100000x128xf32, #tpu.memory_space<hbm>>
        %dma_start3A_430 = tpu.memref_slice %arg8[%dma_start3A_419] : memref<4x!tpu.dma_semaphore, #tpu.memory_space<semaphore_mem>> -> memref<1x!tpu.dma_semaphore, #tpu.memory_space<semaphore_mem>>
        %dma_start3A_431 = tpu.memref_squeeze %dma_start3A_430 : memref<1x!tpu.dma_semaphore, #tpu.memory_space<semaphore_mem>> -> memref<!tpu.dma_semaphore, #tpu.memory_space<semaphore_mem>>
        tpu.enqueue_indirect_dma source(%dma_start3A_429 : memref<100000x128xf32, #tpu.memory_space<hbm>>) target(%dma_start3A_423 : memref<128x128xf32, #tpu.memory_space<vmem>>) offsets(%dma_start3A_426 : memref<128xi32, #tpu.memory_space<vmem>>) semaphore(%dma_start3A_431 : memref<!tpu.dma_semaphore, #tpu.memory_space<semaphore_mem>>)
      } else {
      }
      %add3A_160 = arith.constant 1 : i32
      %add3A_161 = arith.addi %add3A_78, %add3A_160 : i32
      %dma_wait3A_162 = arith.constant 0 : i32
      %dma_wait3A_163 = arith.constant 1 : i32
      %dma_wait3A_164 = arith.constant 1 : i32
      %dma_wait3A_165 = arith.constant 0 : i32
      %dma_wait3A_166 = arith.constant 0 : i32
      %dma_wait3A_167 = tpu.memref_slice %arg6[%dma_wait3A_163, %dma_wait3A_165, %dma_wait3A_166] : memref<4x128x128xf32, #tpu.memory_space<vmem>> -> memref<1x128x128xf32, #tpu.memory_space<vmem>>
      %dma_wait3A_168 = tpu.memref_squeeze %dma_wait3A_167 : memref<1x128x128xf32, #tpu.memory_space<vmem>> -> memref<128x128xf32, #tpu.memory_space<vmem>>
      %dma_wait3A_169 = arith.constant 0 : i32
      %dma_wait3A_170 = tpu.memref_slice %arg5[%dma_wait3A_162, %dma_wait3A_169] : memref<200x128xi32, #tpu.memory_space<vmem>> -> memref<1x128xi32, #tpu.memory_space<vmem>>
      %dma_wait3A_171 = tpu.memref_squeeze %dma_wait3A_170 : memref<1x128xi32, #tpu.memory_space<vmem>> -> memref<128xi32, #tpu.memory_space<vmem>>
      %dma_wait3A_172 = arith.constant 0 : i32
      %dma_wait3A_173 = arith.constant 0 : i32
      %dma_wait3A_174 = tpu.memref_slice %arg2[%dma_wait3A_172, %dma_wait3A_173] : memref<100000x128xf32, #tpu.memory_space<hbm>> -> memref<100000x128xf32, #tpu.memory_space<hbm>>
      %dma_wait3A_175 = tpu.memref_slice %arg8[%dma_wait3A_164] : memref<4x!tpu.dma_semaphore, #tpu.memory_space<semaphore_mem>> -> memref<1x!tpu.dma_semaphore, #tpu.memory_space<semaphore_mem>>
      %dma_wait3A_176 = tpu.memref_squeeze %dma_wait3A_175 : memref<1x!tpu.dma_semaphore, #tpu.memory_space<semaphore_mem>> -> memref<!tpu.dma_semaphore, #tpu.memory_space<semaphore_mem>>
      tpu.wait_indirect_dma semaphore(%dma_wait3A_176 : memref<!tpu.dma_semaphore, #tpu.memory_space<semaphore_mem>>) src(%dma_wait3A_174 : memref<100000x128xf32, #tpu.memory_space<hbm>>) dst(%dma_wait3A_168 : memref<128x128xf32, #tpu.memory_space<vmem>>)
      %ge3A_177 = arith.constant 2 : i32
      %ge3A_178 = arith.cmpi sge, %add3A_161, %ge3A_177 : i32
      %convert_element_type3A_179 = arith.extui %ge3A_178 : i1 to i32
      %cond3A_180 = arith.constant 0 : i32
      %cond3A_181 = arith.cmpi ne, %convert_element_type3A_179, %cond3A_180 : i32
      scf.if %cond3A_181 {
        %sub3A_418 = arith.constant 2 : i32
        %sub3A_419 = arith.subi %add3A_161, %sub3A_418 : i32
        %mul3A_420 = arith.constant 128 : i32
        %mul3A_421 = arith.muli %sub3A_419, %mul3A_420 : i32
        %add3A_422 = arith.addi %mul3A_2, %mul3A_421 : i32
        %dma_wait3A_423 = arith.constant 1 : i32
        %dma_wait3A_424 = arith.constant 1 : i32
        %dma_wait3A_425 = tpu.memref_slice %arg10[%dma_wait3A_424] : memref<2x!tpu.dma_semaphore, #tpu.memory_space<semaphore_mem>> -> memref<1x!tpu.dma_semaphore, #tpu.memory_space<semaphore_mem>>
        %dma_wait3A_426 = tpu.memref_squeeze %dma_wait3A_425 : memref<1x!tpu.dma_semaphore, #tpu.memory_space<semaphore_mem>> -> memref<!tpu.dma_semaphore, #tpu.memory_space<semaphore_mem>>
        %dma_wait3A_427 = arith.constant 0 : i32
        %dma_wait3A_428 = tpu.memref_slice %arg4[%add3A_422, %dma_wait3A_427] : memref<819200x128xf32, #tpu.memory_space<hbm>> -> memref<128x128xf32, #tpu.memory_space<hbm>>
        %dma_wait3A_429 = arith.constant 0 : i32
        %dma_wait3A_430 = arith.constant 0 : i32
        %dma_wait3A_431 = tpu.memref_slice %arg7[%arg1, %dma_wait3A_423, %dma_wait3A_429, %dma_wait3A_430] : memref<16x2x128x128xf32, #tpu.memory_space<vmem_shared>> -> memref<1x1x128x128xf32, #tpu.memory_space<vmem_shared>>
        %dma_wait3A_432 = tpu.memref_squeeze %dma_wait3A_431 : memref<1x1x128x128xf32, #tpu.memory_space<vmem_shared>> -> memref<128x128xf32, #tpu.memory_space<vmem_shared>>
        tpu.wait_dma2 semaphore(%dma_wait3A_426 : memref<!tpu.dma_semaphore, #tpu.memory_space<semaphore_mem>>) src(%dma_wait3A_432 : memref<128x128xf32, #tpu.memory_space<vmem_shared>>) dst(%dma_wait3A_428 : memref<128x128xf32, #tpu.memory_space<hbm>>)
      } else {
      }
      %dma_start3A_182 = arith.constant 1 : i32
      %dma_start3A_183 = arith.constant 1 : i32
      %dma_start3A_184 = arith.constant 1 : i32
      %dma_start3A_185 = arith.constant 0 : i32
      %dma_start3A_186 = arith.constant 0 : i32
      %dma_start3A_187 = tpu.memref_slice %arg6[%dma_start3A_182, %dma_start3A_185, %dma_start3A_186] : memref<4x128x128xf32, #tpu.memory_space<vmem>> -> memref<1x128x128xf32, #tpu.memory_space<vmem>>
      %dma_start3A_188 = tpu.memref_squeeze %dma_start3A_187 : memref<1x128x128xf32, #tpu.memory_space<vmem>> -> memref<128x128xf32, #tpu.memory_space<vmem>>
      %dma_start3A_189 = arith.constant 0 : i32
      %dma_start3A_190 = arith.constant 0 : i32
      %dma_start3A_191 = tpu.memref_slice %arg7[%arg1, %dma_start3A_183, %dma_start3A_189, %dma_start3A_190] : memref<16x2x128x128xf32, #tpu.memory_space<vmem_shared>> -> memref<1x1x128x128xf32, #tpu.memory_space<vmem_shared>>
      %dma_start3A_192 = tpu.memref_squeeze %dma_start3A_191 : memref<1x1x128x128xf32, #tpu.memory_space<vmem_shared>> -> memref<128x128xf32, #tpu.memory_space<vmem_shared>>
      %dma_start3A_193 = tpu.memref_slice %arg9[%dma_start3A_184] : memref<4x!tpu.dma_semaphore, #tpu.memory_space<semaphore_mem>> -> memref<1x!tpu.dma_semaphore, #tpu.memory_space<semaphore_mem>>
      %dma_start3A_194 = tpu.memref_squeeze %dma_start3A_193 : memref<1x!tpu.dma_semaphore, #tpu.memory_space<semaphore_mem>> -> memref<!tpu.dma_semaphore, #tpu.memory_space<semaphore_mem>>
      %dma_start3A_195 = arith.constant 0 : i32
      %dma_start3A_196 = arith.constant 0 : i32
      %dma_start3A_197 = tpu.memref_slice %arg7[%arg1, %dma_start3A_183, %dma_start3A_195, %dma_start3A_196] : memref<16x2x128x128xf32, #tpu.memory_space<vmem_shared>> -> memref<1x1x128x128xf32, #tpu.memory_space<vmem_shared>>
      %dma_start3A_198 = tpu.memref_squeeze %dma_start3A_197 : memref<1x1x128x128xf32, #tpu.memory_space<vmem_shared>> -> memref<128x128xf32, #tpu.memory_space<vmem_shared>>
      %dma_start3A_199 = arith.constant 0 : i32
      %dma_start3A_200 = arith.constant 0 : i32
      %dma_start3A_201 = tpu.memref_slice %arg6[%dma_start3A_182, %dma_start3A_199, %dma_start3A_200] : memref<4x128x128xf32, #tpu.memory_space<vmem>> -> memref<1x128x128xf32, #tpu.memory_space<vmem>>
      %dma_start3A_202 = tpu.memref_squeeze %dma_start3A_201 : memref<1x128x128xf32, #tpu.memory_space<vmem>> -> memref<128x128xf32, #tpu.memory_space<vmem>>
      tpu.enqueue_dma source(%dma_start3A_202 : memref<128x128xf32, #tpu.memory_space<vmem>>) target(%dma_start3A_198 : memref<128x128xf32, #tpu.memory_space<vmem_shared>>) target_semaphore(%dma_start3A_194 : memref<!tpu.dma_semaphore, #tpu.memory_space<semaphore_mem>>)
      %dma_wait3A_203 = arith.constant 1 : i32
      %dma_wait3A_204 = arith.constant 1 : i32
      %dma_wait3A_205 = arith.constant 1 : i32
      %dma_wait3A_206 = arith.constant 0 : i32
      %dma_wait3A_207 = arith.constant 0 : i32
      %dma_wait3A_208 = tpu.memref_slice %arg6[%dma_wait3A_203, %dma_wait3A_206, %dma_wait3A_207] : memref<4x128x128xf32, #tpu.memory_space<vmem>> -> memref<1x128x128xf32, #tpu.memory_space<vmem>>
      %dma_wait3A_209 = tpu.memref_squeeze %dma_wait3A_208 : memref<1x128x128xf32, #tpu.memory_space<vmem>> -> memref<128x128xf32, #tpu.memory_space<vmem>>
      %dma_wait3A_210 = arith.constant 0 : i32
      %dma_wait3A_211 = arith.constant 0 : i32
      %dma_wait3A_212 = tpu.memref_slice %arg7[%arg1, %dma_wait3A_204, %dma_wait3A_210, %dma_wait3A_211] : memref<16x2x128x128xf32, #tpu.memory_space<vmem_shared>> -> memref<1x1x128x128xf32, #tpu.memory_space<vmem_shared>>
      %dma_wait3A_213 = tpu.memref_squeeze %dma_wait3A_212 : memref<1x1x128x128xf32, #tpu.memory_space<vmem_shared>> -> memref<128x128xf32, #tpu.memory_space<vmem_shared>>
      %dma_wait3A_214 = tpu.memref_slice %arg9[%dma_wait3A_205] : memref<4x!tpu.dma_semaphore, #tpu.memory_space<semaphore_mem>> -> memref<1x!tpu.dma_semaphore, #tpu.memory_space<semaphore_mem>>
      %dma_wait3A_215 = tpu.memref_squeeze %dma_wait3A_214 : memref<1x!tpu.dma_semaphore, #tpu.memory_space<semaphore_mem>> -> memref<!tpu.dma_semaphore, #tpu.memory_space<semaphore_mem>>
      %dma_wait3A_216 = arith.constant 0 : i32
      %dma_wait3A_217 = arith.constant 0 : i32
      %dma_wait3A_218 = tpu.memref_slice %arg7[%arg1, %dma_wait3A_204, %dma_wait3A_216, %dma_wait3A_217] : memref<16x2x128x128xf32, #tpu.memory_space<vmem_shared>> -> memref<1x1x128x128xf32, #tpu.memory_space<vmem_shared>>
      %dma_wait3A_219 = tpu.memref_squeeze %dma_wait3A_218 : memref<1x1x128x128xf32, #tpu.memory_space<vmem_shared>> -> memref<128x128xf32, #tpu.memory_space<vmem_shared>>
      %dma_wait3A_220 = arith.constant 0 : i32
      %dma_wait3A_221 = arith.constant 0 : i32
      %dma_wait3A_222 = tpu.memref_slice %arg6[%dma_wait3A_203, %dma_wait3A_220, %dma_wait3A_221] : memref<4x128x128xf32, #tpu.memory_space<vmem>> -> memref<1x128x128xf32, #tpu.memory_space<vmem>>
      %dma_wait3A_223 = tpu.memref_squeeze %dma_wait3A_222 : memref<1x128x128xf32, #tpu.memory_space<vmem>> -> memref<128x128xf32, #tpu.memory_space<vmem>>
      tpu.wait_dma2 semaphore(%dma_wait3A_215 : memref<!tpu.dma_semaphore, #tpu.memory_space<semaphore_mem>>) src(%dma_wait3A_223 : memref<128x128xf32, #tpu.memory_space<vmem>>) dst(%dma_wait3A_219 : memref<128x128xf32, #tpu.memory_space<vmem_shared>>)
      %mul3A_224 = arith.constant 128 : i32
      %mul3A_225 = arith.muli %add3A_161, %mul3A_224 : i32
      %add3A_226 = arith.addi %mul3A_2, %mul3A_225 : i32
      %dma_start3A_227 = arith.constant 1 : i32
      %dma_start3A_228 = arith.constant 1 : i32
      %dma_start3A_229 = tpu.memref_slice %arg10[%dma_start3A_228] : memref<2x!tpu.dma_semaphore, #tpu.memory_space<semaphore_mem>> -> memref<1x!tpu.dma_semaphore, #tpu.memory_space<semaphore_mem>>
      %dma_start3A_230 = tpu.memref_squeeze %dma_start3A_229 : memref<1x!tpu.dma_semaphore, #tpu.memory_space<semaphore_mem>> -> memref<!tpu.dma_semaphore, #tpu.memory_space<semaphore_mem>>
      %dma_start3A_231 = arith.constant 0 : i32
      %dma_start3A_232 = tpu.memref_slice %arg4[%add3A_226, %dma_start3A_231] : memref<819200x128xf32, #tpu.memory_space<hbm>> -> memref<128x128xf32, #tpu.memory_space<hbm>>
      %dma_start3A_233 = arith.constant 0 : i32
      %dma_start3A_234 = arith.constant 0 : i32
      %dma_start3A_235 = tpu.memref_slice %arg7[%arg1, %dma_start3A_227, %dma_start3A_233, %dma_start3A_234] : memref<16x2x128x128xf32, #tpu.memory_space<vmem_shared>> -> memref<1x1x128x128xf32, #tpu.memory_space<vmem_shared>>
      %dma_start3A_236 = tpu.memref_squeeze %dma_start3A_235 : memref<1x1x128x128xf32, #tpu.memory_space<vmem_shared>> -> memref<128x128xf32, #tpu.memory_space<vmem_shared>>
      tpu.enqueue_dma source(%dma_start3A_236 : memref<128x128xf32, #tpu.memory_space<vmem_shared>>) target(%dma_start3A_232 : memref<128x128xf32, #tpu.memory_space<hbm>>) target_semaphore(%dma_start3A_230 : memref<!tpu.dma_semaphore, #tpu.memory_space<semaphore_mem>>)
      %add3A_237 = arith.constant 4 : i32
      %add3A_238 = arith.addi %add3A_161, %add3A_237 : i32
      %sub3A_239 = arith.constant 1 : i32
      %sub3A_240 = arith.subi %add3A_238, %sub3A_239 : i32
      %lt3A_241 = arith.constant 200 : i32
      %lt3A_242 = arith.cmpi slt, %sub3A_240, %lt3A_241 : i32
      %convert_element_type3A_243 = arith.extui %lt3A_242 : i1 to i32
      %cond3A_244 = arith.constant 0 : i32
      %cond3A_245 = arith.cmpi ne, %convert_element_type3A_243, %cond3A_244 : i32
      scf.if %cond3A_245 {
        %dma_start3A_418 = arith.constant 0 : i32
        %dma_start3A_419 = arith.constant 0 : i32
        %dma_start3A_420 = arith.constant 0 : i32
        %dma_start3A_421 = arith.constant 0 : i32
        %dma_start3A_422 = tpu.memref_slice %arg6[%dma_start3A_418, %dma_start3A_420, %dma_start3A_421] : memref<4x128x128xf32, #tpu.memory_space<vmem>> -> memref<1x128x128xf32, #tpu.memory_space<vmem>>
        %dma_start3A_423 = tpu.memref_squeeze %dma_start3A_422 : memref<1x128x128xf32, #tpu.memory_space<vmem>> -> memref<128x128xf32, #tpu.memory_space<vmem>>
        %dma_start3A_424 = arith.constant 0 : i32
        %dma_start3A_425 = tpu.memref_slice %arg5[%sub3A_240, %dma_start3A_424] : memref<200x128xi32, #tpu.memory_space<vmem>> -> memref<1x128xi32, #tpu.memory_space<vmem>>
        %dma_start3A_426 = tpu.memref_squeeze %dma_start3A_425 : memref<1x128xi32, #tpu.memory_space<vmem>> -> memref<128xi32, #tpu.memory_space<vmem>>
        %dma_start3A_427 = arith.constant 0 : i32
        %dma_start3A_428 = arith.constant 0 : i32
        %dma_start3A_429 = tpu.memref_slice %arg2[%dma_start3A_427, %dma_start3A_428] : memref<100000x128xf32, #tpu.memory_space<hbm>> -> memref<100000x128xf32, #tpu.memory_space<hbm>>
        %dma_start3A_430 = tpu.memref_slice %arg8[%dma_start3A_419] : memref<4x!tpu.dma_semaphore, #tpu.memory_space<semaphore_mem>> -> memref<1x!tpu.dma_semaphore, #tpu.memory_space<semaphore_mem>>
        %dma_start3A_431 = tpu.memref_squeeze %dma_start3A_430 : memref<1x!tpu.dma_semaphore, #tpu.memory_space<semaphore_mem>> -> memref<!tpu.dma_semaphore, #tpu.memory_space<semaphore_mem>>
        tpu.enqueue_indirect_dma source(%dma_start3A_429 : memref<100000x128xf32, #tpu.memory_space<hbm>>) target(%dma_start3A_423 : memref<128x128xf32, #tpu.memory_space<vmem>>) offsets(%dma_start3A_426 : memref<128xi32, #tpu.memory_space<vmem>>) semaphore(%dma_start3A_431 : memref<!tpu.dma_semaphore, #tpu.memory_space<semaphore_mem>>)
      } else {
      }
      %add3A_246 = arith.constant 2 : i32
      %add3A_247 = arith.addi %add3A_78, %add3A_246 : i32
      %dma_wait3A_248 = arith.constant 0 : i32
      %dma_wait3A_249 = arith.constant 2 : i32
      %dma_wait3A_250 = arith.constant 2 : i32
      %dma_wait3A_251 = arith.constant 0 : i32
      %dma_wait3A_252 = arith.constant 0 : i32
      %dma_wait3A_253 = tpu.memref_slice %arg6[%dma_wait3A_249, %dma_wait3A_251, %dma_wait3A_252] : memref<4x128x128xf32, #tpu.memory_space<vmem>> -> memref<1x128x128xf32, #tpu.memory_space<vmem>>
      %dma_wait3A_254 = tpu.memref_squeeze %dma_wait3A_253 : memref<1x128x128xf32, #tpu.memory_space<vmem>> -> memref<128x128xf32, #tpu.memory_space<vmem>>
      %dma_wait3A_255 = arith.constant 0 : i32
      %dma_wait3A_256 = tpu.memref_slice %arg5[%dma_wait3A_248, %dma_wait3A_255] : memref<200x128xi32, #tpu.memory_space<vmem>> -> memref<1x128xi32, #tpu.memory_space<vmem>>
      %dma_wait3A_257 = tpu.memref_squeeze %dma_wait3A_256 : memref<1x128xi32, #tpu.memory_space<vmem>> -> memref<128xi32, #tpu.memory_space<vmem>>
      %dma_wait3A_258 = arith.constant 0 : i32
      %dma_wait3A_259 = arith.constant 0 : i32
      %dma_wait3A_260 = tpu.memref_slice %arg2[%dma_wait3A_258, %dma_wait3A_259] : memref<100000x128xf32, #tpu.memory_space<hbm>> -> memref<100000x128xf32, #tpu.memory_space<hbm>>
      %dma_wait3A_261 = tpu.memref_slice %arg8[%dma_wait3A_250] : memref<4x!tpu.dma_semaphore, #tpu.memory_space<semaphore_mem>> -> memref<1x!tpu.dma_semaphore, #tpu.memory_space<semaphore_mem>>
      %dma_wait3A_262 = tpu.memref_squeeze %dma_wait3A_261 : memref<1x!tpu.dma_semaphore, #tpu.memory_space<semaphore_mem>> -> memref<!tpu.dma_semaphore, #tpu.memory_space<semaphore_mem>>
      tpu.wait_indirect_dma semaphore(%dma_wait3A_262 : memref<!tpu.dma_semaphore, #tpu.memory_space<semaphore_mem>>) src(%dma_wait3A_260 : memref<100000x128xf32, #tpu.memory_space<hbm>>) dst(%dma_wait3A_254 : memref<128x128xf32, #tpu.memory_space<vmem>>)
      %ge3A_263 = arith.constant 2 : i32
      %ge3A_264 = arith.cmpi sge, %add3A_247, %ge3A_263 : i32
      %convert_element_type3A_265 = arith.extui %ge3A_264 : i1 to i32
      %cond3A_266 = arith.constant 0 : i32
      %cond3A_267 = arith.cmpi ne, %convert_element_type3A_265, %cond3A_266 : i32
      scf.if %cond3A_267 {
        %sub3A_418 = arith.constant 2 : i32
        %sub3A_419 = arith.subi %add3A_247, %sub3A_418 : i32
        %mul3A_420 = arith.constant 128 : i32
        %mul3A_421 = arith.muli %sub3A_419, %mul3A_420 : i32
        %add3A_422 = arith.addi %mul3A_2, %mul3A_421 : i32
        %dma_wait3A_423 = arith.constant 0 : i32
        %dma_wait3A_424 = arith.constant 0 : i32
        %dma_wait3A_425 = tpu.memref_slice %arg10[%dma_wait3A_424] : memref<2x!tpu.dma_semaphore, #tpu.memory_space<semaphore_mem>> -> memref<1x!tpu.dma_semaphore, #tpu.memory_space<semaphore_mem>>
        %dma_wait3A_426 = tpu.memref_squeeze %dma_wait3A_425 : memref<1x!tpu.dma_semaphore, #tpu.memory_space<semaphore_mem>> -> memref<!tpu.dma_semaphore, #tpu.memory_space<semaphore_mem>>
        %dma_wait3A_427 = arith.constant 0 : i32
        %dma_wait3A_428 = tpu.memref_slice %arg4[%add3A_422, %dma_wait3A_427] : memref<819200x128xf32, #tpu.memory_space<hbm>> -> memref<128x128xf32, #tpu.memory_space<hbm>>
        %dma_wait3A_429 = arith.constant 0 : i32
        %dma_wait3A_430 = arith.constant 0 : i32
        %dma_wait3A_431 = tpu.memref_slice %arg7[%arg1, %dma_wait3A_423, %dma_wait3A_429, %dma_wait3A_430] : memref<16x2x128x128xf32, #tpu.memory_space<vmem_shared>> -> memref<1x1x128x128xf32, #tpu.memory_space<vmem_shared>>
        %dma_wait3A_432 = tpu.memref_squeeze %dma_wait3A_431 : memref<1x1x128x128xf32, #tpu.memory_space<vmem_shared>> -> memref<128x128xf32, #tpu.memory_space<vmem_shared>>
        tpu.wait_dma2 semaphore(%dma_wait3A_426 : memref<!tpu.dma_semaphore, #tpu.memory_space<semaphore_mem>>) src(%dma_wait3A_432 : memref<128x128xf32, #tpu.memory_space<vmem_shared>>) dst(%dma_wait3A_428 : memref<128x128xf32, #tpu.memory_space<hbm>>)
      } else {
      }
      %dma_start3A_268 = arith.constant 2 : i32
      %dma_start3A_269 = arith.constant 0 : i32
      %dma_start3A_270 = arith.constant 2 : i32
      %dma_start3A_271 = arith.constant 0 : i32
      %dma_start3A_272 = arith.constant 0 : i32
      %dma_start3A_273 = tpu.memref_slice %arg6[%dma_start3A_268, %dma_start3A_271, %dma_start3A_272] : memref<4x128x128xf32, #tpu.memory_space<vmem>> -> memref<1x128x128xf32, #tpu.memory_space<vmem>>
      %dma_start3A_274 = tpu.memref_squeeze %dma_start3A_273 : memref<1x128x128xf32, #tpu.memory_space<vmem>> -> memref<128x128xf32, #tpu.memory_space<vmem>>
      %dma_start3A_275 = arith.constant 0 : i32
      %dma_start3A_276 = arith.constant 0 : i32
      %dma_start3A_277 = tpu.memref_slice %arg7[%arg1, %dma_start3A_269, %dma_start3A_275, %dma_start3A_276] : memref<16x2x128x128xf32, #tpu.memory_space<vmem_shared>> -> memref<1x1x128x128xf32, #tpu.memory_space<vmem_shared>>
      %dma_start3A_278 = tpu.memref_squeeze %dma_start3A_277 : memref<1x1x128x128xf32, #tpu.memory_space<vmem_shared>> -> memref<128x128xf32, #tpu.memory_space<vmem_shared>>
      %dma_start3A_279 = tpu.memref_slice %arg9[%dma_start3A_270] : memref<4x!tpu.dma_semaphore, #tpu.memory_space<semaphore_mem>> -> memref<1x!tpu.dma_semaphore, #tpu.memory_space<semaphore_mem>>
      %dma_start3A_280 = tpu.memref_squeeze %dma_start3A_279 : memref<1x!tpu.dma_semaphore, #tpu.memory_space<semaphore_mem>> -> memref<!tpu.dma_semaphore, #tpu.memory_space<semaphore_mem>>
      %dma_start3A_281 = arith.constant 0 : i32
      %dma_start3A_282 = arith.constant 0 : i32
      %dma_start3A_283 = tpu.memref_slice %arg7[%arg1, %dma_start3A_269, %dma_start3A_281, %dma_start3A_282] : memref<16x2x128x128xf32, #tpu.memory_space<vmem_shared>> -> memref<1x1x128x128xf32, #tpu.memory_space<vmem_shared>>
      %dma_start3A_284 = tpu.memref_squeeze %dma_start3A_283 : memref<1x1x128x128xf32, #tpu.memory_space<vmem_shared>> -> memref<128x128xf32, #tpu.memory_space<vmem_shared>>
      %dma_start3A_285 = arith.constant 0 : i32
      %dma_start3A_286 = arith.constant 0 : i32
      %dma_start3A_287 = tpu.memref_slice %arg6[%dma_start3A_268, %dma_start3A_285, %dma_start3A_286] : memref<4x128x128xf32, #tpu.memory_space<vmem>> -> memref<1x128x128xf32, #tpu.memory_space<vmem>>
      %dma_start3A_288 = tpu.memref_squeeze %dma_start3A_287 : memref<1x128x128xf32, #tpu.memory_space<vmem>> -> memref<128x128xf32, #tpu.memory_space<vmem>>
      tpu.enqueue_dma source(%dma_start3A_288 : memref<128x128xf32, #tpu.memory_space<vmem>>) target(%dma_start3A_284 : memref<128x128xf32, #tpu.memory_space<vmem_shared>>) target_semaphore(%dma_start3A_280 : memref<!tpu.dma_semaphore, #tpu.memory_space<semaphore_mem>>)
      %dma_wait3A_289 = arith.constant 2 : i32
      %dma_wait3A_290 = arith.constant 0 : i32
      %dma_wait3A_291 = arith.constant 2 : i32
      %dma_wait3A_292 = arith.constant 0 : i32
      %dma_wait3A_293 = arith.constant 0 : i32
      %dma_wait3A_294 = tpu.memref_slice %arg6[%dma_wait3A_289, %dma_wait3A_292, %dma_wait3A_293] : memref<4x128x128xf32, #tpu.memory_space<vmem>> -> memref<1x128x128xf32, #tpu.memory_space<vmem>>
      %dma_wait3A_295 = tpu.memref_squeeze %dma_wait3A_294 : memref<1x128x128xf32, #tpu.memory_space<vmem>> -> memref<128x128xf32, #tpu.memory_space<vmem>>
      %dma_wait3A_296 = arith.constant 0 : i32
      %dma_wait3A_297 = arith.constant 0 : i32
      %dma_wait3A_298 = tpu.memref_slice %arg7[%arg1, %dma_wait3A_290, %dma_wait3A_296, %dma_wait3A_297] : memref<16x2x128x128xf32, #tpu.memory_space<vmem_shared>> -> memref<1x1x128x128xf32, #tpu.memory_space<vmem_shared>>
      %dma_wait3A_299 = tpu.memref_squeeze %dma_wait3A_298 : memref<1x1x128x128xf32, #tpu.memory_space<vmem_shared>> -> memref<128x128xf32, #tpu.memory_space<vmem_shared>>
      %dma_wait3A_300 = tpu.memref_slice %arg9[%dma_wait3A_291] : memref<4x!tpu.dma_semaphore, #tpu.memory_space<semaphore_mem>> -> memref<1x!tpu.dma_semaphore, #tpu.memory_space<semaphore_mem>>
      %dma_wait3A_301 = tpu.memref_squeeze %dma_wait3A_300 : memref<1x!tpu.dma_semaphore, #tpu.memory_space<semaphore_mem>> -> memref<!tpu.dma_semaphore, #tpu.memory_space<semaphore_mem>>
      %dma_wait3A_302 = arith.constant 0 : i32
      %dma_wait3A_303 = arith.constant 0 : i32
      %dma_wait3A_304 = tpu.memref_slice %arg7[%arg1, %dma_wait3A_290, %dma_wait3A_302, %dma_wait3A_303] : memref<16x2x128x128xf32, #tpu.memory_space<vmem_shared>> -> memref<1x1x128x128xf32, #tpu.memory_space<vmem_shared>>
      %dma_wait3A_305 = tpu.memref_squeeze %dma_wait3A_304 : memref<1x1x128x128xf32, #tpu.memory_space<vmem_shared>> -> memref<128x128xf32, #tpu.memory_space<vmem_shared>>
      %dma_wait3A_306 = arith.constant 0 : i32
      %dma_wait3A_307 = arith.constant 0 : i32
      %dma_wait3A_308 = tpu.memref_slice %arg6[%dma_wait3A_289, %dma_wait3A_306, %dma_wait3A_307] : memref<4x128x128xf32, #tpu.memory_space<vmem>> -> memref<1x128x128xf32, #tpu.memory_space<vmem>>
      %dma_wait3A_309 = tpu.memref_squeeze %dma_wait3A_308 : memref<1x128x128xf32, #tpu.memory_space<vmem>> -> memref<128x128xf32, #tpu.memory_space<vmem>>
      tpu.wait_dma2 semaphore(%dma_wait3A_301 : memref<!tpu.dma_semaphore, #tpu.memory_space<semaphore_mem>>) src(%dma_wait3A_309 : memref<128x128xf32, #tpu.memory_space<vmem>>) dst(%dma_wait3A_305 : memref<128x128xf32, #tpu.memory_space<vmem_shared>>)
      %mul3A_310 = arith.constant 128 : i32
      %mul3A_311 = arith.muli %add3A_247, %mul3A_310 : i32
      %add3A_312 = arith.addi %mul3A_2, %mul3A_311 : i32
      %dma_start3A_313 = arith.constant 0 : i32
      %dma_start3A_314 = arith.constant 0 : i32
      %dma_start3A_315 = tpu.memref_slice %arg10[%dma_start3A_314] : memref<2x!tpu.dma_semaphore, #tpu.memory_space<semaphore_mem>> -> memref<1x!tpu.dma_semaphore, #tpu.memory_space<semaphore_mem>>
      %dma_start3A_316 = tpu.memref_squeeze %dma_start3A_315 : memref<1x!tpu.dma_semaphore, #tpu.memory_space<semaphore_mem>> -> memref<!tpu.dma_semaphore, #tpu.memory_space<semaphore_mem>>
      %dma_start3A_317 = arith.constant 0 : i32
      %dma_start3A_318 = tpu.memref_slice %arg4[%add3A_312, %dma_start3A_317] : memref<819200x128xf32, #tpu.memory_space<hbm>> -> memref<128x128xf32, #tpu.memory_space<hbm>>
      %dma_start3A_319 = arith.constant 0 : i32
      %dma_start3A_320 = arith.constant 0 : i32
      %dma_start3A_321 = tpu.memref_slice %arg7[%arg1, %dma_start3A_313, %dma_start3A_319, %dma_start3A_320] : memref<16x2x128x128xf32, #tpu.memory_space<vmem_shared>> -> memref<1x1x128x128xf32, #tpu.memory_space<vmem_shared>>
      %dma_start3A_322 = tpu.memref_squeeze %dma_start3A_321 : memref<1x1x128x128xf32, #tpu.memory_space<vmem_shared>> -> memref<128x128xf32, #tpu.memory_space<vmem_shared>>
      tpu.enqueue_dma source(%dma_start3A_322 : memref<128x128xf32, #tpu.memory_space<vmem_shared>>) target(%dma_start3A_318 : memref<128x128xf32, #tpu.memory_space<hbm>>) target_semaphore(%dma_start3A_316 : memref<!tpu.dma_semaphore, #tpu.memory_space<semaphore_mem>>)
      %add3A_323 = arith.constant 4 : i32
      %add3A_324 = arith.addi %add3A_247, %add3A_323 : i32
      %sub3A_325 = arith.constant 1 : i32
      %sub3A_326 = arith.subi %add3A_324, %sub3A_325 : i32
      %lt3A_327 = arith.constant 200 : i32
      %lt3A_328 = arith.cmpi slt, %sub3A_326, %lt3A_327 : i32
      %convert_element_type3A_329 = arith.extui %lt3A_328 : i1 to i32
      %cond3A_330 = arith.constant 0 : i32
      %cond3A_331 = arith.cmpi ne, %convert_element_type3A_329, %cond3A_330 : i32
      scf.if %cond3A_331 {
        %dma_start3A_418 = arith.constant 1 : i32
        %dma_start3A_419 = arith.constant 1 : i32
        %dma_start3A_420 = arith.constant 0 : i32
        %dma_start3A_421 = arith.constant 0 : i32
        %dma_start3A_422 = tpu.memref_slice %arg6[%dma_start3A_418, %dma_start3A_420, %dma_start3A_421] : memref<4x128x128xf32, #tpu.memory_space<vmem>> -> memref<1x128x128xf32, #tpu.memory_space<vmem>>
        %dma_start3A_423 = tpu.memref_squeeze %dma_start3A_422 : memref<1x128x128xf32, #tpu.memory_space<vmem>> -> memref<128x128xf32, #tpu.memory_space<vmem>>
        %dma_start3A_424 = arith.constant 0 : i32
        %dma_start3A_425 = tpu.memref_slice %arg5[%sub3A_326, %dma_start3A_424] : memref<200x128xi32, #tpu.memory_space<vmem>> -> memref<1x128xi32, #tpu.memory_space<vmem>>
        %dma_start3A_426 = tpu.memref_squeeze %dma_start3A_425 : memref<1x128xi32, #tpu.memory_space<vmem>> -> memref<128xi32, #tpu.memory_space<vmem>>
        %dma_start3A_427 = arith.constant 0 : i32
        %dma_start3A_428 = arith.constant 0 : i32
        %dma_start3A_429 = tpu.memref_slice %arg2[%dma_start3A_427, %dma_start3A_428] : memref<100000x128xf32, #tpu.memory_space<hbm>> -> memref<100000x128xf32, #tpu.memory_space<hbm>>
        %dma_start3A_430 = tpu.memref_slice %arg8[%dma_start3A_419] : memref<4x!tpu.dma_semaphore, #tpu.memory_space<semaphore_mem>> -> memref<1x!tpu.dma_semaphore, #tpu.memory_space<semaphore_mem>>
        %dma_start3A_431 = tpu.memref_squeeze %dma_start3A_430 : memref<1x!tpu.dma_semaphore, #tpu.memory_space<semaphore_mem>> -> memref<!tpu.dma_semaphore, #tpu.memory_space<semaphore_mem>>
        tpu.enqueue_indirect_dma source(%dma_start3A_429 : memref<100000x128xf32, #tpu.memory_space<hbm>>) target(%dma_start3A_423 : memref<128x128xf32, #tpu.memory_space<vmem>>) offsets(%dma_start3A_426 : memref<128xi32, #tpu.memory_space<vmem>>) semaphore(%dma_start3A_431 : memref<!tpu.dma_semaphore, #tpu.memory_space<semaphore_mem>>)
      } else {
      }
      %add3A_332 = arith.constant 3 : i32
      %add3A_333 = arith.addi %add3A_78, %add3A_332 : i32
      %dma_wait3A_334 = arith.constant 0 : i32
      %dma_wait3A_335 = arith.constant 3 : i32
      %dma_wait3A_336 = arith.constant 3 : i32
      %dma_wait3A_337 = arith.constant 0 : i32
      %dma_wait3A_338 = arith.constant 0 : i32
      %dma_wait3A_339 = tpu.memref_slice %arg6[%dma_wait3A_335, %dma_wait3A_337, %dma_wait3A_338] : memref<4x128x128xf32, #tpu.memory_space<vmem>> -> memref<1x128x128xf32, #tpu.memory_space<vmem>>
      %dma_wait3A_340 = tpu.memref_squeeze %dma_wait3A_339 : memref<1x128x128xf32, #tpu.memory_space<vmem>> -> memref<128x128xf32, #tpu.memory_space<vmem>>
      %dma_wait3A_341 = arith.constant 0 : i32
      %dma_wait3A_342 = tpu.memref_slice %arg5[%dma_wait3A_334, %dma_wait3A_341] : memref<200x128xi32, #tpu.memory_space<vmem>> -> memref<1x128xi32, #tpu.memory_space<vmem>>
      %dma_wait3A_343 = tpu.memref_squeeze %dma_wait3A_342 : memref<1x128xi32, #tpu.memory_space<vmem>> -> memref<128xi32, #tpu.memory_space<vmem>>
      %dma_wait3A_344 = arith.constant 0 : i32
      %dma_wait3A_345 = arith.constant 0 : i32
      %dma_wait3A_346 = tpu.memref_slice %arg2[%dma_wait3A_344, %dma_wait3A_345] : memref<100000x128xf32, #tpu.memory_space<hbm>> -> memref<100000x128xf32, #tpu.memory_space<hbm>>
      %dma_wait3A_347 = tpu.memref_slice %arg8[%dma_wait3A_336] : memref<4x!tpu.dma_semaphore, #tpu.memory_space<semaphore_mem>> -> memref<1x!tpu.dma_semaphore, #tpu.memory_space<semaphore_mem>>
      %dma_wait3A_348 = tpu.memref_squeeze %dma_wait3A_347 : memref<1x!tpu.dma_semaphore, #tpu.memory_space<semaphore_mem>> -> memref<!tpu.dma_semaphore, #tpu.memory_space<semaphore_mem>>
      tpu.wait_indirect_dma semaphore(%dma_wait3A_348 : memref<!tpu.dma_semaphore, #tpu.memory_space<semaphore_mem>>) src(%dma_wait3A_346 : memref<100000x128xf32, #tpu.memory_space<hbm>>) dst(%dma_wait3A_340 : memref<128x128xf32, #tpu.memory_space<vmem>>)
      %ge3A_349 = arith.constant 2 : i32
      %ge3A_350 = arith.cmpi sge, %add3A_333, %ge3A_349 : i32
      %convert_element_type3A_351 = arith.extui %ge3A_350 : i1 to i32
      %cond3A_352 = arith.constant 0 : i32
      %cond3A_353 = arith.cmpi ne, %convert_element_type3A_351, %cond3A_352 : i32
      scf.if %cond3A_353 {
        %sub3A_418 = arith.constant 2 : i32
        %sub3A_419 = arith.subi %add3A_333, %sub3A_418 : i32
        %mul3A_420 = arith.constant 128 : i32
        %mul3A_421 = arith.muli %sub3A_419, %mul3A_420 : i32
        %add3A_422 = arith.addi %mul3A_2, %mul3A_421 : i32
        %dma_wait3A_423 = arith.constant 1 : i32
        %dma_wait3A_424 = arith.constant 1 : i32
        %dma_wait3A_425 = tpu.memref_slice %arg10[%dma_wait3A_424] : memref<2x!tpu.dma_semaphore, #tpu.memory_space<semaphore_mem>> -> memref<1x!tpu.dma_semaphore, #tpu.memory_space<semaphore_mem>>
        %dma_wait3A_426 = tpu.memref_squeeze %dma_wait3A_425 : memref<1x!tpu.dma_semaphore, #tpu.memory_space<semaphore_mem>> -> memref<!tpu.dma_semaphore, #tpu.memory_space<semaphore_mem>>
        %dma_wait3A_427 = arith.constant 0 : i32
        %dma_wait3A_428 = tpu.memref_slice %arg4[%add3A_422, %dma_wait3A_427] : memref<819200x128xf32, #tpu.memory_space<hbm>> -> memref<128x128xf32, #tpu.memory_space<hbm>>
        %dma_wait3A_429 = arith.constant 0 : i32
        %dma_wait3A_430 = arith.constant 0 : i32
        %dma_wait3A_431 = tpu.memref_slice %arg7[%arg1, %dma_wait3A_423, %dma_wait3A_429, %dma_wait3A_430] : memref<16x2x128x128xf32, #tpu.memory_space<vmem_shared>> -> memref<1x1x128x128xf32, #tpu.memory_space<vmem_shared>>
        %dma_wait3A_432 = tpu.memref_squeeze %dma_wait3A_431 : memref<1x1x128x128xf32, #tpu.memory_space<vmem_shared>> -> memref<128x128xf32, #tpu.memory_space<vmem_shared>>
        tpu.wait_dma2 semaphore(%dma_wait3A_426 : memref<!tpu.dma_semaphore, #tpu.memory_space<semaphore_mem>>) src(%dma_wait3A_432 : memref<128x128xf32, #tpu.memory_space<vmem_shared>>) dst(%dma_wait3A_428 : memref<128x128xf32, #tpu.memory_space<hbm>>)
      } else {
      }
      %dma_start3A_354 = arith.constant 3 : i32
      %dma_start3A_355 = arith.constant 1 : i32
      %dma_start3A_356 = arith.constant 3 : i32
      %dma_start3A_357 = arith.constant 0 : i32
      %dma_start3A_358 = arith.constant 0 : i32
      %dma_start3A_359 = tpu.memref_slice %arg6[%dma_start3A_354, %dma_start3A_357, %dma_start3A_358] : memref<4x128x128xf32, #tpu.memory_space<vmem>> -> memref<1x128x128xf32, #tpu.memory_space<vmem>>
      %dma_start3A_360 = tpu.memref_squeeze %dma_start3A_359 : memref<1x128x128xf32, #tpu.memory_space<vmem>> -> memref<128x128xf32, #tpu.memory_space<vmem>>
      %dma_start3A_361 = arith.constant 0 : i32
      %dma_start3A_362 = arith.constant 0 : i32
      %dma_start3A_363 = tpu.memref_slice %arg7[%arg1, %dma_start3A_355, %dma_start3A_361, %dma_start3A_362] : memref<16x2x128x128xf32, #tpu.memory_space<vmem_shared>> -> memref<1x1x128x128xf32, #tpu.memory_space<vmem_shared>>
      %dma_start3A_364 = tpu.memref_squeeze %dma_start3A_363 : memref<1x1x128x128xf32, #tpu.memory_space<vmem_shared>> -> memref<128x128xf32, #tpu.memory_space<vmem_shared>>
      %dma_start3A_365 = tpu.memref_slice %arg9[%dma_start3A_356] : memref<4x!tpu.dma_semaphore, #tpu.memory_space<semaphore_mem>> -> memref<1x!tpu.dma_semaphore, #tpu.memory_space<semaphore_mem>>
      %dma_start3A_366 = tpu.memref_squeeze %dma_start3A_365 : memref<1x!tpu.dma_semaphore, #tpu.memory_space<semaphore_mem>> -> memref<!tpu.dma_semaphore, #tpu.memory_space<semaphore_mem>>
      %dma_start3A_367 = arith.constant 0 : i32
      %dma_start3A_368 = arith.constant 0 : i32
      %dma_start3A_369 = tpu.memref_slice %arg7[%arg1, %dma_start3A_355, %dma_start3A_367, %dma_start3A_368] : memref<16x2x128x128xf32, #tpu.memory_space<vmem_shared>> -> memref<1x1x128x128xf32, #tpu.memory_space<vmem_shared>>
      %dma_start3A_370 = tpu.memref_squeeze %dma_start3A_369 : memref<1x1x128x128xf32, #tpu.memory_space<vmem_shared>> -> memref<128x128xf32, #tpu.memory_space<vmem_shared>>
      %dma_start3A_371 = arith.constant 0 : i32
      %dma_start3A_372 = arith.constant 0 : i32
      %dma_start3A_373 = tpu.memref_slice %arg6[%dma_start3A_354, %dma_start3A_371, %dma_start3A_372] : memref<4x128x128xf32, #tpu.memory_space<vmem>> -> memref<1x128x128xf32, #tpu.memory_space<vmem>>
      %dma_start3A_374 = tpu.memref_squeeze %dma_start3A_373 : memref<1x128x128xf32, #tpu.memory_space<vmem>> -> memref<128x128xf32, #tpu.memory_space<vmem>>
      tpu.enqueue_dma source(%dma_start3A_374 : memref<128x128xf32, #tpu.memory_space<vmem>>) target(%dma_start3A_370 : memref<128x128xf32, #tpu.memory_space<vmem_shared>>) target_semaphore(%dma_start3A_366 : memref<!tpu.dma_semaphore, #tpu.memory_space<semaphore_mem>>)
      %dma_wait3A_375 = arith.constant 3 : i32
      %dma_wait3A_376 = arith.constant 1 : i32
      %dma_wait3A_377 = arith.constant 3 : i32
      %dma_wait3A_378 = arith.constant 0 : i32
      %dma_wait3A_379 = arith.constant 0 : i32
      %dma_wait3A_380 = tpu.memref_slice %arg6[%dma_wait3A_375, %dma_wait3A_378, %dma_wait3A_379] : memref<4x128x128xf32, #tpu.memory_space<vmem>> -> memref<1x128x128xf32, #tpu.memory_space<vmem>>
      %dma_wait3A_381 = tpu.memref_squeeze %dma_wait3A_380 : memref<1x128x128xf32, #tpu.memory_space<vmem>> -> memref<128x128xf32, #tpu.memory_space<vmem>>
      %dma_wait3A_382 = arith.constant 0 : i32
      %dma_wait3A_383 = arith.constant 0 : i32
      %dma_wait3A_384 = tpu.memref_slice %arg7[%arg1, %dma_wait3A_376, %dma_wait3A_382, %dma_wait3A_383] : memref<16x2x128x128xf32, #tpu.memory_space<vmem_shared>> -> memref<1x1x128x128xf32, #tpu.memory_space<vmem_shared>>
      %dma_wait3A_385 = tpu.memref_squeeze %dma_wait3A_384 : memref<1x1x128x128xf32, #tpu.memory_space<vmem_shared>> -> memref<128x128xf32, #tpu.memory_space<vmem_shared>>
      %dma_wait3A_386 = tpu.memref_slice %arg9[%dma_wait3A_377] : memref<4x!tpu.dma_semaphore, #tpu.memory_space<semaphore_mem>> -> memref<1x!tpu.dma_semaphore, #tpu.memory_space<semaphore_mem>>
      %dma_wait3A_387 = tpu.memref_squeeze %dma_wait3A_386 : memref<1x!tpu.dma_semaphore, #tpu.memory_space<semaphore_mem>> -> memref<!tpu.dma_semaphore, #tpu.memory_space<semaphore_mem>>
      %dma_wait3A_388 = arith.constant 0 : i32
      %dma_wait3A_389 = arith.constant 0 : i32
      %dma_wait3A_390 = tpu.memref_slice %arg7[%arg1, %dma_wait3A_376, %dma_wait3A_388, %dma_wait3A_389] : memref<16x2x128x128xf32, #tpu.memory_space<vmem_shared>> -> memref<1x1x128x128xf32, #tpu.memory_space<vmem_shared>>
      %dma_wait3A_391 = tpu.memref_squeeze %dma_wait3A_390 : memref<1x1x128x128xf32, #tpu.memory_space<vmem_shared>> -> memref<128x128xf32, #tpu.memory_space<vmem_shared>>
      %dma_wait3A_392 = arith.constant 0 : i32
      %dma_wait3A_393 = arith.constant 0 : i32
      %dma_wait3A_394 = tpu.memref_slice %arg6[%dma_wait3A_375, %dma_wait3A_392, %dma_wait3A_393] : memref<4x128x128xf32, #tpu.memory_space<vmem>> -> memref<1x128x128xf32, #tpu.memory_space<vmem>>
      %dma_wait3A_395 = tpu.memref_squeeze %dma_wait3A_394 : memref<1x128x128xf32, #tpu.memory_space<vmem>> -> memref<128x128xf32, #tpu.memory_space<vmem>>
      tpu.wait_dma2 semaphore(%dma_wait3A_387 : memref<!tpu.dma_semaphore, #tpu.memory_space<semaphore_mem>>) src(%dma_wait3A_395 : memref<128x128xf32, #tpu.memory_space<vmem>>) dst(%dma_wait3A_391 : memref<128x128xf32, #tpu.memory_space<vmem_shared>>)
      %mul3A_396 = arith.constant 128 : i32
      %mul3A_397 = arith.muli %add3A_333, %mul3A_396 : i32
      %add3A_398 = arith.addi %mul3A_2, %mul3A_397 : i32
      %dma_start3A_399 = arith.constant 1 : i32
      %dma_start3A_400 = arith.constant 1 : i32
      %dma_start3A_401 = tpu.memref_slice %arg10[%dma_start3A_400] : memref<2x!tpu.dma_semaphore, #tpu.memory_space<semaphore_mem>> -> memref<1x!tpu.dma_semaphore, #tpu.memory_space<semaphore_mem>>
      %dma_start3A_402 = tpu.memref_squeeze %dma_start3A_401 : memref<1x!tpu.dma_semaphore, #tpu.memory_space<semaphore_mem>> -> memref<!tpu.dma_semaphore, #tpu.memory_space<semaphore_mem>>
      %dma_start3A_403 = arith.constant 0 : i32
      %dma_start3A_404 = tpu.memref_slice %arg4[%add3A_398, %dma_start3A_403] : memref<819200x128xf32, #tpu.memory_space<hbm>> -> memref<128x128xf32, #tpu.memory_space<hbm>>
      %dma_start3A_405 = arith.constant 0 : i32
      %dma_start3A_406 = arith.constant 0 : i32
      %dma_start3A_407 = tpu.memref_slice %arg7[%arg1, %dma_start3A_399, %dma_start3A_405, %dma_start3A_406] : memref<16x2x128x128xf32, #tpu.memory_space<vmem_shared>> -> memref<1x1x128x128xf32, #tpu.memory_space<vmem_shared>>
      %dma_start3A_408 = tpu.memref_squeeze %dma_start3A_407 : memref<1x1x128x128xf32, #tpu.memory_space<vmem_shared>> -> memref<128x128xf32, #tpu.memory_space<vmem_shared>>
      tpu.enqueue_dma source(%dma_start3A_408 : memref<128x128xf32, #tpu.memory_space<vmem_shared>>) target(%dma_start3A_404 : memref<128x128xf32, #tpu.memory_space<hbm>>) target_semaphore(%dma_start3A_402 : memref<!tpu.dma_semaphore, #tpu.memory_space<semaphore_mem>>)
      %add3A_409 = arith.constant 4 : i32
      %add3A_410 = arith.addi %add3A_333, %add3A_409 : i32
      %sub3A_411 = arith.constant 1 : i32
      %sub3A_412 = arith.subi %add3A_410, %sub3A_411 : i32
      %lt3A_413 = arith.constant 200 : i32
      %lt3A_414 = arith.cmpi slt, %sub3A_412, %lt3A_413 : i32
      %convert_element_type3A_415 = arith.extui %lt3A_414 : i1 to i32
      %cond3A_416 = arith.constant 0 : i32
      %cond3A_417 = arith.cmpi ne, %convert_element_type3A_415, %cond3A_416 : i32
      scf.if %cond3A_417 {
        %dma_start3A_418 = arith.constant 2 : i32
        %dma_start3A_419 = arith.constant 2 : i32
        %dma_start3A_420 = arith.constant 0 : i32
        %dma_start3A_421 = arith.constant 0 : i32
        %dma_start3A_422 = tpu.memref_slice %arg6[%dma_start3A_418, %dma_start3A_420, %dma_start3A_421] : memref<4x128x128xf32, #tpu.memory_space<vmem>> -> memref<1x128x128xf32, #tpu.memory_space<vmem>>
        %dma_start3A_423 = tpu.memref_squeeze %dma_start3A_422 : memref<1x128x128xf32, #tpu.memory_space<vmem>> -> memref<128x128xf32, #tpu.memory_space<vmem>>
        %dma_start3A_424 = arith.constant 0 : i32
        %dma_start3A_425 = tpu.memref_slice %arg5[%sub3A_412, %dma_start3A_424] : memref<200x128xi32, #tpu.memory_space<vmem>> -> memref<1x128xi32, #tpu.memory_space<vmem>>
        %dma_start3A_426 = tpu.memref_squeeze %dma_start3A_425 : memref<1x128xi32, #tpu.memory_space<vmem>> -> memref<128xi32, #tpu.memory_space<vmem>>
        %dma_start3A_427 = arith.constant 0 : i32
        %dma_start3A_428 = arith.constant 0 : i32
        %dma_start3A_429 = tpu.memref_slice %arg2[%dma_start3A_427, %dma_start3A_428] : memref<100000x128xf32, #tpu.memory_space<hbm>> -> memref<100000x128xf32, #tpu.memory_space<hbm>>
        %dma_start3A_430 = tpu.memref_slice %arg8[%dma_start3A_419] : memref<4x!tpu.dma_semaphore, #tpu.memory_space<semaphore_mem>> -> memref<1x!tpu.dma_semaphore, #tpu.memory_space<semaphore_mem>>
        %dma_start3A_431 = tpu.memref_squeeze %dma_start3A_430 : memref<1x!tpu.dma_semaphore, #tpu.memory_space<semaphore_mem>> -> memref<!tpu.dma_semaphore, #tpu.memory_space<semaphore_mem>>
        tpu.enqueue_indirect_dma source(%dma_start3A_429 : memref<100000x128xf32, #tpu.memory_space<hbm>>) target(%dma_start3A_423 : memref<128x128xf32, #tpu.memory_space<vmem>>) offsets(%dma_start3A_426 : memref<128xi32, #tpu.memory_space<vmem>>) semaphore(%dma_start3A_431 : memref<!tpu.dma_semaphore, #tpu.memory_space<semaphore_mem>>)
      } else {
      }
    }
    %scan3A_50 = arith.constant 50 : i32
    %add3A_51 = arith.constant 25344 : i32
    %add3A_52 = arith.addi %mul3A_2, %add3A_51 : i32
    %dma_wait3A = arith.constant 0 : i32
    %dma_wait3A_53 = arith.constant 0 : i32
    %dma_wait3A_54 = tpu.memref_slice %arg10[%dma_wait3A_53] : memref<2x!tpu.dma_semaphore, #tpu.memory_space<semaphore_mem>> -> memref<1x!tpu.dma_semaphore, #tpu.memory_space<semaphore_mem>>
    %dma_wait3A_55 = tpu.memref_squeeze %dma_wait3A_54 : memref<1x!tpu.dma_semaphore, #tpu.memory_space<semaphore_mem>> -> memref<!tpu.dma_semaphore, #tpu.memory_space<semaphore_mem>>
    %dma_wait3A_56 = arith.constant 0 : i32
    %dma_wait3A_57 = tpu.memref_slice %arg4[%add3A_52, %dma_wait3A_56] : memref<819200x128xf32, #tpu.memory_space<hbm>> -> memref<128x128xf32, #tpu.memory_space<hbm>>
    %dma_wait3A_58 = arith.constant 0 : i32
    %dma_wait3A_59 = arith.constant 0 : i32
    %dma_wait3A_60 = tpu.memref_slice %arg7[%arg1, %dma_wait3A, %dma_wait3A_58, %dma_wait3A_59] : memref<16x2x128x128xf32, #tpu.memory_space<vmem_shared>> -> memref<1x1x128x128xf32, #tpu.memory_space<vmem_shared>>
    %dma_wait3A_61 = tpu.memref_squeeze %dma_wait3A_60 : memref<1x1x128x128xf32, #tpu.memory_space<vmem_shared>> -> memref<128x128xf32, #tpu.memory_space<vmem_shared>>
    tpu.wait_dma2 semaphore(%dma_wait3A_55 : memref<!tpu.dma_semaphore, #tpu.memory_space<semaphore_mem>>) src(%dma_wait3A_61 : memref<128x128xf32, #tpu.memory_space<vmem_shared>>) dst(%dma_wait3A_57 : memref<128x128xf32, #tpu.memory_space<hbm>>)
    %add3A_62 = arith.constant 25472 : i32
    %add3A_63 = arith.addi %mul3A_2, %add3A_62 : i32
    %dma_wait3A_64 = arith.constant 1 : i32
    %dma_wait3A_65 = arith.constant 1 : i32
    %dma_wait3A_66 = tpu.memref_slice %arg10[%dma_wait3A_65] : memref<2x!tpu.dma_semaphore, #tpu.memory_space<semaphore_mem>> -> memref<1x!tpu.dma_semaphore, #tpu.memory_space<semaphore_mem>>
    %dma_wait3A_67 = tpu.memref_squeeze %dma_wait3A_66 : memref<1x!tpu.dma_semaphore, #tpu.memory_space<semaphore_mem>> -> memref<!tpu.dma_semaphore, #tpu.memory_space<semaphore_mem>>
    %dma_wait3A_68 = arith.constant 0 : i32
    %dma_wait3A_69 = tpu.memref_slice %arg4[%add3A_63, %dma_wait3A_68] : memref<819200x128xf32, #tpu.memory_space<hbm>> -> memref<128x128xf32, #tpu.memory_space<hbm>>
    %dma_wait3A_70 = arith.constant 0 : i32
    %dma_wait3A_71 = arith.constant 0 : i32
    %dma_wait3A_72 = tpu.memref_slice %arg7[%arg1, %dma_wait3A_64, %dma_wait3A_70, %dma_wait3A_71] : memref<16x2x128x128xf32, #tpu.memory_space<vmem_shared>> -> memref<1x1x128x128xf32, #tpu.memory_space<vmem_shared>>
    %dma_wait3A_73 = tpu.memref_squeeze %dma_wait3A_72 : memref<1x1x128x128xf32, #tpu.memory_space<vmem_shared>> -> memref<128x128xf32, #tpu.memory_space<vmem_shared>>
    tpu.wait_dma2 semaphore(%dma_wait3A_67 : memref<!tpu.dma_semaphore, #tpu.memory_space<semaphore_mem>>) src(%dma_wait3A_73 : memref<128x128xf32, #tpu.memory_space<vmem_shared>>) dst(%dma_wait3A_69 : memref<128x128xf32, #tpu.memory_space<hbm>>)
    return
  }
}

module attributes {stable_mosaic.version = 14 : i64} {
  func.func @_softmax_rows_body(%arg0: i32, %arg1: memref<10000x128xf32, #tpu.memory_space<vmem>>, %arg2: memref<10000x128xf32, #tpu.memory_space<vmem>>) attributes {dimension_semantics = [#tpu.dimension_semantics<arbitrary>], iteration_bounds = array<i64: 10>, scalar_prefetch = 0 : i64, scratch_operands = 0 : i64, tpu.core_type = #tpu.core_type<tc>, window_params = [{transform_indices = @transform_0, window_bounds = array<i64: 10000, 128>}, {transform_indices = @transform_1, window_bounds = array<i64: 10000, 128>}]} {
    %get3A = arith.constant 0 : index
    %get3A_0 = arith.constant 0 : index
    %get3A_1 = vector.load %arg1[%get3A, %get3A_0] : memref<10000x128xf32, #tpu.memory_space<vmem>>, vector<10000x128xf32>
    %exp3A = math.exp %get3A_1 : vector<10000x128xf32>
    %reduce_sum3A = arith.constant dense<0.000000e+00> : vector<10000xf32>
    %reduce_sum3A_2 = vector.multi_reduction <add>, %exp3A, %reduce_sum3A [1] : vector<10000x128xf32> to vector<10000xf32>
    %broadcast_in_dim3A = vector.shape_cast %reduce_sum3A_2 : vector<10000xf32> to vector<10000x1xf32>
    %div3A = arith.constant 1.000000e+00 : f32
    %div3A_3 = vector.broadcast %div3A : f32 to vector<10000x1xf32>
    %div3A_4 = arith.divf %div3A_3, %broadcast_in_dim3A : vector<10000x1xf32>
    %mul3A = vector.broadcast %div3A_4 : vector<10000x1xf32> to vector<10000x128xf32>
    %mul3A_5 = arith.mulf %exp3A, %mul3A : vector<10000x128xf32>
    %swap3A = arith.constant 0 : index
    %swap3A_6 = arith.constant 0 : index
    %swap3A_7 = vector.load %arg2[%swap3A, %swap3A_6] : memref<10000x128xf32, #tpu.memory_space<vmem>>, vector<10000x128xf32>
    tpu.vector_store %arg2[%swap3A, %swap3A_6], %mul3A_5 {strides = array<i32>} : memref<10000x128xf32, #tpu.memory_space<vmem>>, vector<10000x128xf32>,
    return
  }
  func.func @transform_0(%arg0: i32) -> (i32, i32) {
    %c0_i32 = arith.constant 0 : i32
    %c0_i32_0 = arith.constant 0 : i32
    return %arg0, %c0_i32 : i32, i32
  }
  func.func @transform_1(%arg0: i32) -> (i32, i32) {
    %c0_i32 = arith.constant 0 : i32
    %c0_i32_0 = arith.constant 0 : i32
    return %arg0, %c0_i32 : i32, i32
  }
}

</mosaic_0001>

<sc_bundles>
// kernel: kernel.4.cloned.1.call-start
scs
__scs_entry_jumppad:
0x0: {  	(pc) =	sbr.rel $0x88, $3  }
0x1: {  	(tag) =	ssettag $0x0;
	lr =	simm.s32 $0x1  }
0x2: {  	[smem:$0x3F9F] =	sst lr;
	_ =	strace $0xD0000000  }
0x3: {  	_ = 	snop  }
0x4: {  	_ = 	snop  }
0x5: {  	_ = 	snop  }
0x6: {  	_ = 	snop  }
0x7: {  	_ = 	snop  }
__scs_overlays_trampoline_lowered:
0x8: {  	[smem:$0x3FAE] =	sst s0  }
0x9: {  	[smem:$0x3FAF] =	sst s1  }
0xa: {  	[smem:$0x3FB0] =	sst s2  }
0xb: {  	[smem:$0x3FB1] =	sst s3  }
0xc: {  	[smem:$0x3FB2] =	sst s4  }
0xd: {  	[smem:$0x3FB3] =	sst s5  }
0xe: {  	[smem:$0x3FB4] =	sst s6  }
0xf: {  	[smem:$0x3FB5] =	sst s7  }
0x10: {  	[smem:$0x3FB6] =	sst s8  }
0x11: {  	[smem:$0x3FB7] =	sst s9;
	s0 =	simm.s32 @!p0 $0x0  }
0x12: {  	s1 =	sld [smem:$0x3F9D];
	s0 =	simm.s32 @p0 $0x1  }
0x13: {  	[smem:$0x3FB8] =	sst s0;
	s0 =	simm.s32 @!p1 $0x0  }
0x14: {  	s2 =	sld [smem:$0x3F9C];
	s0 =	simm.s32 @p1 $0x1  }
0x15: {  	[smem:$0x3FB9] =	sst s0;
	s0 =	simm.s32 @!p2 $0x0  }
0x16: {  	s3 =	sld [smem:$0x3FDB];
	s0 =	simm.s32 @p2 $0x1  }
0x17: {  	s4 =	simm.s32 $0x1BF5;
	[smem:$0x3FBB] =	sst s0  }
0x18: {  	s0 =	sld [smem:$0x3F9E];
	_ =	swait.ge [sflag:s4], $0x0  }
0x19: {  	s7 =	sld [smem:$0x3F9F]  }
0x1a: {  	s8 =	sadd.s32 $0xFFFFE003, lr  }
0x1b: {  	s9 =	sadd.s32 $0xFFFFFEF7, lr;
	s5 =	simm.s32 $0xFFFFFFFF;
	p2 =	slt.u32 s8, $0xFFFFF086  }
0x1c: {  	p1 =	slt.u32 s9, $0xF7A;
	s5 =	simm.s32 @!p2 $0x0  }
0x1d: {  	s5 =	simm.s32 @p1 $0x1;
	p0 =	seq.s32 s7, s2  }
0x1e: {  	s7 =	smul.u32 @!p0 $0xF7A, s2;
	p2 =	seq.s32 @!p0 s5, $0x0  }
0x1f: {  	s9 =	smul.u32 $0xF7A, s1;
	s8 =	simm.s32 @!p0 $0x1BF5;
	p2 =	por !p2, p0  }
0x20: {  	[sflag:s8] =	ssyncset.s32 @!p0 $0xFFFFF086;
	s6 =	sadd.s32 @!p0 s3, s7;
	s7 =	simm.s32 @!p0 $0x108  }
0x21: {  	s3 =	sadd.s32 s3, s9;
	s6 =	sadd.s32 @!p0 $0x88, s6;
	s7 =	simm.s32 @p2 $0x1082  }
0x22: {  	[simem:s7], [sflag:s8] =	dma.local @!p0 [hbm:s6], $0xF7A  }
0x23: {  	s9 =	sor.u32 $0xD0000000, s2;
	s6 =	simm.s32 $0x108;
	_ =	swait.ge @!p0 [sflag:s8], $0x0  }
0x24: {  	s3 =	sadd.s32 $0x88, s3;
	s6 =	simm.s32 @!p1 $0x1082;
	[sflag:s4] =	ssyncset.s32 $0xFFFFF086  }
0x25: {  	[simem:s6], [sflag:s4] =	dma.local [hbm:s3], $0xF7A  }
0x26: {  	[smem:$0x3F9F] =	sst s1;
	(tag) =	ssettag s2;
	_ =	strace s9  }
0x27: {  	s1 =	sld [smem:$0x3FAF]  }
0x28: {  	s2 =	sld [smem:$0x3FB0]  }
0x29: {  	s4 =	sld [smem:$0x3FB2]  }
0x2a: {  	p0 =	seq.s32 s5, $0x0;
	s5 =	sld [smem:$0x3FB3]  }
0x2b: {  	s6 =	sld [smem:$0x3FB4]  }
0x2c: {  	s7 =	sld [smem:$0x3FB5]  }
0x2d: {  	s3 =	simm.s32 $0x108;
	s8 =	sld [smem:$0x3FB6]  }
0x2e: {  	s3 =	simm.s32 @!p0 $0x1082;
	s9 =	sld [smem:$0x3FB7]  }
0x2f: {  	lr =	sadd.s32 s0, s3;
	s0 =	sld [smem:$0x3FAE]  }
0x30: {  	s3 =	sld [smem:$0x3FB1]  }
0x31: {  	[smem:$0x3FBA] =	sst s10  }
0x32: {  	s10 =	sld [smem:$0x3FB8];
	_ =	sdelay $0x3  }
0x33: {  	p0 =	seq.s32 s10, $0x1;
	s10 =	sld [smem:$0x3FBA];
	_ =	sdelay $0x3  }
0x34: {  	[smem:$0x3FBA] =	sst s10  }
0x35: {  	s10 =	sld [smem:$0x3FB9];
	_ =	sdelay $0x3  }
0x36: {  	p1 =	seq.s32 s10, $0x1;
	s10 =	sld [smem:$0x3FBA];
	_ =	sdelay $0x3  }
0x37: {  	[smem:$0x3FBA] =	sst s10  }
0x38: {  	s10 =	sld [smem:$0x3FBB]  }
0x39: {  	_ = 	snop;
	(pc) =	sbr.ind lr, $3  }
0x3a: {  	_ = 	snop  }
0x3b: {  	_ = 	snop  }
0x3c: {  	p2 =	seq.s32 s10, $0x1;
	s10 =	sld [smem:$0x3FBA]  }
0x3d: {  	_ =	shalt  }
0x3e: {  	_ =	shalt  }
0x3f: {  	_ =	shalt  }
0x40: {  	_ =	shalt  }
0x41: {  	_ =	shalt  }
0x42: {  	_ =	shalt  }
0x43: {  	_ =	shalt  }
0x44: {  	_ =	shalt  }
0x45: {  	_ =	shalt  }
0x46: {  	_ =	shalt  }
0x47: {  	_ =	shalt  }
0x48: {  	_ =	shalt  }
0x49: {  	_ =	shalt  }
0x4a: {  	_ =	shalt  }
0x4b: {  	_ =	shalt  }
0x4c: {  	_ =	shalt  }
0x4d: {  	_ =	shalt  }
0x4e: {  	_ =	shalt  }
0x4f: {  	_ =	shalt  }
0x50: {  	_ =	shalt  }
0x51: {  	_ =	shalt  }
0x52: {  	_ =	shalt  }
0x53: {  	_ =	shalt  }
0x54: {  	_ =	shalt  }
0x55: {  	_ =	shalt  }
0x56: {  	_ =	shalt  }
0x57: {  	_ =	shalt  }
0x58: {  	_ =	shalt  }
0x59: {  	_ =	shalt  }
0x5a: {  	_ =	shalt  }
0x5b: {  	_ =	shalt  }
0x5c: {  	_ =	shalt  }
0x5d: {  	_ =	shalt  }
0x5e: {  	_ =	shalt  }
0x5f: {  	_ =	shalt  }
0x60: {  	_ =	shalt  }
0x61: {  	_ =	shalt  }
0x62: {  	_ =	shalt  }
0x63: {  	_ =	shalt  }
0x64: {  	_ =	shalt  }
0x65: {  	_ =	shalt  }
0x66: {  	_ =	shalt  }
0x67: {  	_ =	shalt  }
0x68: {  	_ =	shalt  }
0x69: {  	_ =	shalt  }
0x6a: {  	_ =	shalt  }
0x6b: {  	_ =	shalt  }
0x6c: {  	_ =	shalt  }
0x6d: {  	_ =	shalt  }
0x6e: {  	_ =	shalt  }
0x6f: {  	_ =	shalt  }
0x70: {  	_ =	shalt  }
0x71: {  	_ =	shalt  }
0x72: {  	_ =	shalt  }
0x73: {  	_ =	shalt  }
0x74: {  	_ =	shalt  }
0x75: {  	_ =	shalt  }
0x76: {  	_ =	shalt  }
0x77: {  	_ =	shalt  }
0x78: {  	_ =	shalt  }
0x79: {  	_ =	shalt  }
0x7a: {  	_ =	shalt  }
0x7b: {  	_ =	shalt  }
0x7c: {  	_ =	shalt  }
0x7d: {  	_ =	shalt  }
0x7e: {  	_ =	shalt  }
0x7f: {  	_ =	shalt  }
0x80: {  	_ =	shalt  }
0x81: {  	_ =	shalt  }
0x82: {  	_ =	shalt  }
0x83: {  	_ =	shalt  }
0x84: {  	_ =	shalt  }
0x85: {  	_ =	shalt  }
0x86: {  	_ =	shalt  }
0x87: {  	_ =	shalt  }
.Lfunc_end0:
.L_simem_size_0:
called_computation_lowered:
.L_overlay_start_0:
0x88: {  	s2 =	sld [smem:$0x3FD9]  }
0x89: {  	s3 =	sld [smem:$0x3FFE];
	_ =	sdelay $0x1  }
0x8a: {  	s1 =	srdreg.scid  }
0x8b: {  	s0 =	sand.u32 $0x1, s1  }
0x8c: {  	s17 =	sshll.u32 s0, $0xA;
	s2 =	sadd.s32 s3, s2  }
0x8d: {  	s2 =	sadd.s32 s2, s17  }
0x8e: {  	[smem:$0x3FC6] =	sst s2  }
0x8f: {  	_ = 	snop  }
0x90: {  	s2 =	sld [smem:$0x3FD0];
	(tm) =	ssettm $0x1  }
0x91: {  	s18 =	sld [smem:$0x3FFB];
	_ =	sdelay $0x3  }
0x92: {  	_ =	strace s18  }
0x93: {  	s3 =	sld [smem:$0x3FFC];
	_ =	sdelay $0x3  }
0x94: {  	_ =	strace s3  }
0x95: {  	s3 =	sld [smem:$0x3FFD];
	_ =	sdelay $0x3  }
0x96: {  	_ =	strace s3  }
0x97: {  	_ =	strace $0x8FFFFFFF  }
0x98: {  	s19 =	sld [smem:$0x3FDB];
	_ =	sdelay $0x1  }
0x99: {  	s4 =	simm.s32 $_scs_section_size  }
0x9a: {  	s5 =	simm.s32 $_size__tile_overlayer_lowered;
	s6 =	simm.s32 $_tile_overlayer_lowered  }
0x9b: {  	s22 =	simm.s32 $0x1BFF;
	s21 =	sshll.u32 s6, $0x1;
	s3 =	sadd.s32 s4, s19  }
0x9c: {  	s7 =	simm.s32 $0x0;
	s20 =	sshll.u32 s5, $0x1;
	s5 =	sadd.s32 s21, s3  }
0x9d: {  	[timem:s7], [sflag:s22] =	dma.local [hbm:s5], s20  }
0x9e: {  	_ =	swait.ge [sflag:s22], s20  }
0x9f: {  	s4 =	ssub.s32 $0x0, s20;
	[sflag:s22] =	ssyncset.done $0x0  }
0xa0: {  	[sflag:s22] =	ssyncadd.s32 s4;
	_ =	sdelay $0x1  }
0xa1: {  	s23 =	simm.s32 $0x1B8B  }
0xa2: {  	_ =	swait.ge [sflag:s23], $0x1  }
0xa3: {  	[sflag:s23] =	ssyncset.done $0x0  }
0xa4: {  	s25 =	simm.s32 $0x1B8E;
	s24 =	sld [smem:$0x3FFE];
	[sflag:s23] =	ssyncadd.s32 $0xFFFFFFFF  }
0xa5: {  	s26 =	simm.s32 $execute0_lowered;
	[smem:$0x3FD2] =	sst s25  }
0xa6: {  	s5 =	sshll.u32 s26, $0x1;
	_ =	strace $0x80000046;
	[dreg:$0x1] =	wrdreg $0xFFFFFFFF  }
0xa7: {  	s28 =	simm.s32 $_size_execute0_lowered;
	s3 =	sadd.s32 s3, s5;
	[dreg:$0x0] =	wrdreg $0x0  }
0xa8: {  	s5 =	sshll.u32 s28, $0x1;
	[dreg:$0x2] =	wrdreg s3  }
0xa9: {  	[dreg:$0x3] =	wrdreg s5  }
0xaa: {  	[dreg:$0x4] =	wrdreg $0xC0  }
0xab: {  	_ =	task [dreg:s7], $0x5FFFF  }
0xac: {  	[dreg:$0x1] =	wrdreg $0xFFFFFFFF  }
0xad: {  	[dreg:$0x0] =	wrdreg $0x60  }
0xae: {  	[dreg:$0x2] =	wrdreg s24  }
0xaf: {  	[dreg:$0x3] =	wrdreg s2  }
0xb0: {  	[dreg:$0x4] =	wrdreg $0x164000  }
0xb1: {  	[dreg:$0x5] =	wrdreg $0x9  }
0xb2: {  	_ =	task.clear_ibuf [dreg:s7], $0x6FFFF;
	_ =	strace $0x90000046  }
0xb3: {  	s29 =	simm.s32 $0x9;
	_ =	strace $0x80000048  }
0xb4: {  	_ =	swait.ge [sflag:s29], $0x1  }
0xb5: {  	[sflag:s29] =	ssyncadd.s32 $0xFFFFFFFF  }
0xb6: {  	_ =	strace $0x90000048  }
0xb7: {  	_ =	sfence  }
0xb8: {  	s30 =	sld [smem:$0x0];
	_ =	sdelay $0x2  }
0xb9: {  	s31 =	sshll.u32 s1, $0xD;
	s1 =	sshrl.u32 s1, $0x2  }
0xba: {  	s3 =	sand.u32 $0x4000, s31;
	s1 =	sadd.s32 s1, s30  }
0xbb: {  	s0 =	sor.u32 s3, s0;
	s1 =	sshll.u32 s1, $0x11  }
0xbc: {  	s0 =	sor.u32 s1, s0  }
0xbd: {  	s0 =	sadd.s32 $0x8F2B, s0  }
0xbe: {  	[sflag:s0] =	ssyncadd.remote.s32 $0x1  }
0xbf: {  	_ =	sfence.sel $0xFFFF  }
0xc0: {  	[dreg:$0x0] =	wrdreg $0xFFFFFFFF;
	(pc) =	sbr.abs _section_cstart, $3  }
0xc1: {  	[dreg:$0x1] =	wrdreg $0xFFFFFFFF  }
0xc2: {  	_ =	task.clear_ibuf [dreg:s7], $0x2FFFF;
	_ =	strace $0x9FFFFFFF  }
0xc3: {  	(tm) =	ssettm $0x7FFFFFFF  }
tec
execute0_lowered:
.L_overlay_start_1:
0x0: {  	(tag) =	ssettag $0x1  }
0x1: {  	s0 =	rddreg [dreg:$0x0]  }
0x2: {  	s1 =	srdreg.scid;
	s5 =	rddreg [dreg:$0x1]  }
0x3: {  	s10 =	stileid.u32;
	s4 =	rddreg [dreg:$0x2];
	s3 =	simm.s32 $0x0  }
0x4: {  	s12 =	simm.s32 $0x80;
	s13 =	simm.s32 $0x6400;
	s14 =	simm.s32 $0xA400  }
0x5: {  	s16 =	simm.s32 $0xE400;
	s17 =	simm.s32 $0x1;
	s28 =	simm.s32 $0x9  }
0x6: {  	s29 =	simm.s32 $0x7;
	s30 =	simm.s32 $0x4;
	s31 =	simm.s32 $0xA  }
0x7: {  	s1 =	sand.u32 $0x1, s1;
	s2 =	sshll.u32 s10, $0x1;
	s7 =	smul.u32 $0x640000, s10  }
0x8: {  	[smem:$0x7FF] =	sst s3;
	s3 =	sadd.s32 $0x19400, s0;
	s19 =	smul.u32 $0xC8000, s10  }
0x9: {  	s8 =	sshll.u32 s10, $0xF;
	s26 =	sshll.u32 s10, $0x6;
	s9 =	smul.u32 $0x320000, s1  }
0xa: {  	s2 =	sor.u32 s1, s2;
	_ =	strace $0x80000047;
	s20 =	smul.u32 $0x64000, s1  }
0xb: {  	s18 =	ssub.s32 $0x2, s1;
	s4 =	sadd.s32 s8, s4;
	s2 =	smul.u32 $0x6400, s2  }
0xc: {  	s6 =	sshrl.u32 s18, $0x1;
	s23 =	sadd.s32 s19, s5;
	s22 =	sadd.s32 s9, s7  }
0xd: {  	s19 =	sor.u32 $0x1C09, s26;
	s2 =	sshrl.u32 s2, $0x3;
	s7 =	sshrl.u32 s22, $0x3  }
0xe: {  	s1 =	sor.u32 $0xC000, s22;
	s22 =	simm.s32 $0x2;
	s0 =	sadd.s32 s2, s0  }
0xf: {  	s2 =	ssub.s32 s18, s6;
	s6 =	sadd.s32 $0x4000, s4;
	s24 =	sadd.s32 s7, s5  }
0x10: {  	s25 =	sshrl.u32 s1, $0x3;
	s18 =	simm.s32 $0x5;
	s1 =	simm.s32 $0x8  }
0x11: {  	s0 =	sadd.s32 $0x400, s0;
	s21 =	smax.u32 s2, $0x1;
	[dreg:$0x6] =	wrdreg s24  }
.Ltmp0:
0x12: {  	s24 =	sor.u32 $0x1C0A, s26;
	s26 =	simm.s32 $0x3;
	(pc) =	sbr.rel .LBB2_1-.Ltmp0, $4  }
0x13: {  	s2 =	simm.s32 $0x0;
	[dreg:$0x4] =	wrdreg s0;
	s0 =	sadd.s32 s20, s23  }
0x14: {  	[dreg:$0x5] =	wrdreg s21;
	s20 =	sshrl.u32 s4, $0x3;
	s0 =	sadd.s32 $0x1000, s0  }
0x15: {  	s21 =	simm.s32 $0x12400;
	[dreg:$0x7] =	wrdreg s0;
	s0 =	sadd.s32 s25, s5  }
0x16: {  	s23 =	simm.s32 $0x6;
	s25 =	sshrl.u32 s6, $0x3;
	[dreg:$0x8] =	wrdreg s0  }
.LBB2_4:
0x17: {  	_ =	swait.ge [sflag:s28], $0x800  }
0x18: {  	[sflag:s28] =	ssyncset.done $0x0  }
0x19: {  	[sflag:s28] =	ssyncadd.s32 $0xFFFFF800  }
0x1a: {  	_ =	swait.ge [sflag:s31], $0x800  }
0x1b: {  	s2 =	rddreg [dreg:$0x9]  }
0x1c: {  	s0 =	rddreg [dreg:$0x5];
	s2 =	sadd.s32 $0x1, s2  }
0x1d: {  	p0 =	sne.s32 s2, s0  }
.Ltmp1:
0x1e: {  	_ = 	snop;
	(pc) =	sbr.rel @!p0 .LBB2_5-.Ltmp1, $3  }
0x1f: {  	_ =	sdelay $0x1  }
0x20: {  	[sflag:s31] =	ssyncset.done $0x0  }
0x21: {  	[sflag:s31] =	ssyncadd.s32 $0xFFFFF800  }
.LBB2_1:
0x22: {  	[dreg:$0x9] =	wrdreg s2  }
0x23: {  	s0 =	simm.s32 $0x0;
	s10 =	rddreg [dreg:$0x4];
	s11 =	simm.s32 $0xB  }
0x24: {  	[tilespmem:s0], [sflag:$0xB] =	stream.linear.gather [hbm4b:s10+s0], $0x6400, $0x38;
	[tilespmem:$0x1E400] =	vst v63  }
0x25: {  	_ =	swait.ge [sflag:s11], $0x6400  }
0x26: {  	[sflag:s11] =	ssyncset.done $0x0  }
0x27: {  	s10 =	rddreg [dreg:$0x8];
	[sflag:s11] =	ssyncadd.s32 $0xFFFF9C00  }
0x28: {  	[tilespmem:s13], [sflag:$0x1] =	stream.indirect.gather [hbm4b:s3+s12], $0x80, s0, s12, $0xb8;
	[tilespmem:$0x1E400] =	vst v63  }
0x29: {  	s9 =	rddreg [dreg:$0x7]  }
0x2a: {  	[tilespmem:s14], [sflag:$0x2] =	stream.indirect.gather [hbm4b:s3+s12], $0x80, s12, s12, $0xb8;
	[tilespmem:$0x1E400] =	vst v63  }
0x2b: {  	s15 =	simm.s32 $0x100;
	s7 =	simm.s32 $0x0;
	s8 =	rddreg [dreg:$0x6]  }
0x2c: {  	[tilespmem:s16], [sflag:$0x3] =	stream.indirect.gather [hbm4b:s3+s12], $0x80, s15, s12, $0xb8;
	[tilespmem:$0x1E400] =	vst v63  }
.LBB2_2:
0x2d: {  	_ =	swait.ge [sflag:s17], $0x4000  }
0x2e: {  	p0 =	seq.s32 s7, $0x0;
	[sflag:s17] =	ssyncset.done $0x0  }
0x2f: {  	s5 =	simm.s32 @!p0 $0x9;
	[sflag:s17] =	ssyncadd.s32 $0xFFFFC000  }
0x30: {  	_ =	swait.ge @!p0 [sflag:s5], $0x800  }
0x31: {  	[sflag:s5] =	ssyncset.done @!p0 $0x0  }
0x32: {  	[sflag:s5] =	ssyncadd.s32 @!p0 $0xFFFFF800  }
0x33: {  	[spmem:s4] =	stream.linear.scatter [tilespmem:s13], [sflag:$0x5], $0x4000, $0x38;
	[tilespmem:$0x1E400] =	vst v63  }
0x34: {  	_ =	swait.ge [sflag:s18], $0x4000  }
0x35: {  	s5 =	sshra.s32 s7, $0x2;
	[sflag:s18] =	ssyncset.done $0x0  }
0x36: {  	s2 =	sadd.s32 $0x180, s5;
	[sflag:s18] =	ssyncadd.s32 $0xFFFFC000  }
0x37: {  	[hbm:s8], [sflag:s19] =	dma.local [spmem:s20], $0x800  }
0x38: {  	[tilespmem:s21], [sflag:$0x4] =	stream.indirect.gather [hbm4b:s3+s12], $0x80, s2, s12, $0xb8;
	[tilespmem:$0x1E400] =	vst v63  }
0x39: {  	_ =	swait.ge [sflag:s22], $0x4000  }
0x3a: {  	[sflag:s22] =	ssyncset.done $0x0  }
0x3b: {  	s2 =	simm.s32 @!p0 $0xA;
	[sflag:s22] =	ssyncadd.s32 $0xFFFFC000  }
0x3c: {  	_ =	swait.ge @!p0 [sflag:s2], $0x800  }
0x3d: {  	[sflag:s2] =	ssyncset.done @!p0 $0x0  }
0x3e: {  	[sflag:s2] =	ssyncadd.s32 @!p0 $0xFFFFF800  }
0x3f: {  	[spmem:s6] =	stream.linear.scatter [tilespmem:s14], [sflag:$0x6], $0x4000, $0x38;
	[tilespmem:$0x1E400] =	vst v63  }
0x40: {  	_ =	swait.ge [sflag:s23], $0x4000  }
0x41: {  	p0 =	seq.s32 s7, $0x18800;
	[sflag:s23] =	ssyncset.done $0x0  }
0x42: {  	s15 =	sadd.s32 $0xFFFFF800, s9;
	s2 =	sshra.s32 @!p0 s7, $0x2;
	[sflag:s23] =	ssyncadd.s32 $0xFFFFC000  }
0x43: {  	[hbm:s15], [sflag:s24] =	dma.local [spmem:s25], $0x800  }
0x44: {  	s11 =	simm.s32 @!p0 $0x80;
	s0 =	simm.s32 @!p0 $0x6400;
	s15 =	sadd.s32 @!p0 $0x200, s2  }
0x45: {  	[tilespmem:s0], [sflag:$0x1] =	stream.indirect.gather @!p0 [hbm4b:s3+s11], $0x80, s15, s11, $0xb8;
	[tilespmem:$0x1E400] =	vst v63  }
0x46: {  	_ =	swait.ge [sflag:s26], $0x4000  }
0x47: {  	[sflag:s26] =	ssyncset.done $0x0  }
0x48: {  	[sflag:s26] =	ssyncadd.s32 $0xFFFFC000  }
0x49: {  	_ =	swait.ge [sflag:s28], $0x800  }
0x4a: {  	[sflag:s28] =	ssyncset.done $0x0  }
0x4b: {  	[sflag:s28] =	ssyncadd.s32 $0xFFFFF800  }
0x4c: {  	[spmem:s4] =	stream.linear.scatter [tilespmem:s16], [sflag:$0x7], $0x4000, $0x38;
	[tilespmem:$0x1E400] =	vst v63  }
0x4d: {  	_ =	swait.ge [sflag:s29], $0x4000  }
0x4e: {  	[sflag:s29] =	ssyncset.done $0x0  }
0x4f: {  	s0 =	sadd.s32 @!p0 $0x280, s2;
	s2 =	simm.s32 @!p0 $0xA400;
	[sflag:s29] =	ssyncadd.s32 $0xFFFFC000  }
0x50: {  	[hbm:s9], [sflag:s19] =	dma.local [spmem:s20], $0x800  }
0x51: {  	[tilespmem:s2], [sflag:$0x2] =	stream.indirect.gather @!p0 [hbm4b:s3+s11], $0x80, s0, s11, $0xb8;
	[tilespmem:$0x1E400] =	vst v63  }
0x52: {  	_ =	swait.ge [sflag:s30], $0x4000  }
0x53: {  	[sflag:s30] =	ssyncset.done $0x0  }
0x54: {  	[sflag:s30] =	ssyncadd.s32 $0xFFFFC000  }
0x55: {  	_ =	swait.ge [sflag:s31], $0x800  }
0x56: {  	[sflag:s31] =	ssyncset.done $0x0  }
0x57: {  	[sflag:s31] =	ssyncadd.s32 $0xFFFFF800  }
0x58: {  	[spmem:s6] =	stream.linear.scatter [tilespmem:s21], [sflag:$0x8], $0x4000, $0x38;
	[tilespmem:$0x1E400] =	vst v63  }
.Ltmp2:
0x59: {  	_ = 	snop;
	(pc) =	sbr.rel @p0 .LBB2_4-.Ltmp2, $4  }
0x5a: {  	_ =	swait.ge [sflag:s1], $0x4000  }
0x5b: {  	[sflag:s1] =	ssyncset.done $0x0  }
0x5c: {  	[sflag:s1] =	ssyncadd.s32 $0xFFFFC000  }
0x5d: {  	[hbm:s10], [sflag:s24] =	dma.local [spmem:s25], $0x800  }
.Ltmp3:
0x5e: {  	(pc) =	sbr.rel .LBB2_2-.Ltmp3, $4  }
0x5f: {  	_ = 	snop  }
0x60: {  	s0 =	sadd.s32 $0x300, s5;
	s7 =	sadd.s32 $0x800, s7  }
0x61: {  	s8 =	sadd.s32 $0x2000, s8;
	s9 =	sadd.s32 $0x2000, s9;
	s10 =	sadd.s32 $0x2000, s10  }
0x62: {  	[tilespmem:s16], [sflag:$0x3] =	stream.indirect.gather [hbm4b:s3+s12], $0x80, s0, s12, $0xb8;
	[tilespmem:$0x1E400] =	vst v63  }
.LBB2_5:
0x63: {  	_ =	sfence.sel $0x180000  }
0x64: {  	[bflag:$0x0] =	sbarrier.arrive $0xFFFF  }
0x65: {  	_ =	strace $0x90000047  }
0x66: {  	s0 =	stileid.u32;
	[bflag:$0x2] =	sbarrier.arrive $0xFFFF  }
0x67: {  	p0 =	sne.s32 s0, $0x0;
	s0 =	rddreg [dreg:$0x3]  }
0x68: {  	s0 =	sadd.s32 @!p0 $0x100000, s0  }
0x69: {  	[sflag:s0] =	ssyncadd.tile.s32 @!p0 $0x1;
	_ =	shalt  }
.Lfunc_end2:
_tile_overlayer_lowered:
.L_overlay_start_2:
0x6a: {  	(tag) =	ssettag $0x2  }
0x6b: {  	s0 =	rddreg [dreg:$0x0];
	s2 =	stileid.u32  }
0x6c: {  	s1 =	rddreg [dreg:$0x1];
	p0 =	sne.s32 s2, $0x0  }
0x6d: {  	s3 =	rddreg [dreg:$0x2];
	[bflag:$0x3] =	sbarrier.arrive $0xFFFF;
	s2 =	simm.s32 @!p0 $0x1C0B  }
0x6e: {  	[timem:s3], [sflag:s2] =	dma.local @!p0 [hbm:s0], s1  }
0x6f: {  	s0 =	simm.s32 @!p0 $0xB  }
0x70: {  	_ =	swait.ge @!p0 [sflag:s0], s1  }
0x71: {  	s1 =	ssub.s32 @!p0 $0x0, s1;
	[sflag:s0] =	ssyncset.done @!p0 $0x0  }
0x72: {  	[sflag:s0] =	ssyncadd.s32 @!p0 s1  }
0x73: {  	[bflag:$0x3] =	sbarrier.arrive $0xFFFF  }
0x74: {  	_ =	shalt  }

</sc_bundles>
